<compile_context>
chip_gen: v7x
topology: tpu7x:2x2x1
jax: 0.10.2.dev20260603
libtpu: 0.0.44.dev20260713+nightly
codegen_flags: <defaults>
</compile_context>

<pallas_src>
import functools

import jax
import jax.numpy as jnp
from jax import lax
from jax.experimental import pallas as pl
from jax.experimental.pallas import tpu as pltpu
from jax.experimental.pallas import tpu_sc as plsc

GAMMA = 12.0
HIDDEN = 128
BATCH = 16384
LANES = 16
NUM_WORKERS = 32
B_PER_W = BATCH // NUM_WORKERS
CHUNK = 64
NCHUNK = B_PER_W // CHUNK


def _transe_body(ent_hbm, rel_hbm, head_hbm, ridx_hbm, tail_hbm, out_hbm,
                 hidx_v, ridx_v, tidx_v, out_v, pair_v,
                 h0, r0, t0, h1, r1, t1, sem0, sem1):
    wid = lax.axis_index("s") * 2 + lax.axis_index("c")
    base = wid * B_PER_W
    lane = lax.iota(jnp.int32, 16)
    lo8 = lane < 8
    lanehalf = lane >> 1
    cidx = (lane & 1) * 8

    cps = [
        pltpu.async_copy(head_hbm.at[pl.ds(base, B_PER_W)], hidx_v, sem0),
        pltpu.async_copy(ridx_hbm.at[pl.ds(base, B_PER_W)], ridx_v, sem0),
        pltpu.async_copy(tail_hbm.at[pl.ds(base, B_PER_W)], tidx_v, sem0),
    ]
    for cp in cps:
        cp.wait()

    bufs = [(h0, r0, t0, sem0), (h1, r1, t1, sem1)]

    def fire(c, which):
        h_v, r_v, t_v, sem = bufs[which]
        sl = pl.ds(c * CHUNK, CHUNK)
        return [
            pltpu.async_copy(ent_hbm.at[hidx_v.at[sl]], h_v, sem),
            pltpu.async_copy(rel_hbm.at[ridx_v.at[sl]], r_v, sem),
            pltpu.async_copy(ent_hbm.at[tidx_v.at[sl]], t_v, sem),
        ]

    def drain(which):
        h_v, r_v, t_v, sem = bufs[which]
        dummy = ent_hbm.at[pl.ds(0, CHUNK)]
        for dst in (h_v, r_v, t_v):
            pltpu.make_async_copy(dummy, dst, sem).wait()

    def shuf(x, s):
        return x.at[lane ^ s].get(mode="promise_in_bounds")

    def compute(c, which):
        h_v, r_v, t_v, _ = bufs[which]

        @plsc.parallel_loop(0, CHUNK, step=2)
        def pair_rows(g):
            def row_acc(row):
                acc = None
                for k in range(HIDDEN // LANES):
                    hv = h_v[row, pl.ds(k * 16, 16)]
                    rv = r_v[row, pl.ds(k * 16, 16)]
                    tv = t_v[row, pl.ds(k * 16, 16)]
                    d = jnp.abs(hv + rv - tv)
                    acc = d if acc is None else acc + d
                return acc

            a = row_acc(g)
            b = row_acc(g + 1)
            fold = jnp.where(lo8, a + shuf(a, 8), b + shuf(b, 8))
            for s in (4, 2, 1):
                fold = fold + shuf(fold, s)
            pair_v[pl.ds(g * 8, 16)] = fold

        @plsc.parallel_loop(0, CHUNK // 16, step=1)
        def window(w):
            svec = jnp.zeros((16,), jnp.float32)
            for i in range(8):
                v = pair_v[pl.ds((8 * w + i) * 16, 16)]
                svec = jnp.where(lanehalf == i,
                                 v.at[cidx].get(mode="promise_in_bounds"), svec)
            out_v[pl.ds(c * CHUNK + w * 16, 16)] = GAMMA - svec

    fire(0, 0)

    def pair(cc, carry):
        c0 = 2 * cc
        cps1 = fire(c0 + 1, 1)
        drain(0)
        compute(c0, 0)

        @pl.when(cc < NCHUNK // 2 - 1)
        def _():
            fire(c0 + 2, 0)

        for cp in cps1:
            cp.wait()
        compute(c0 + 1, 1)
        return carry

    lax.fori_loop(0, NCHUNK // 2, pair, 0)

    pltpu.sync_copy(out_v, out_hbm.at[pl.ds(base, B_PER_W)])


def kernel(entity_emb, relation_emb, head, relation, tail):
    head = head.astype(jnp.int32)
    relation = relation.astype(jnp.int32)
    tail = tail.astype(jnp.int32)
    mesh = plsc.VectorSubcoreMesh(core_axis_name="c", subcore_axis_name="s")
    f = functools.partial(
        pl.kernel,
        mesh=mesh,
        out_type=jax.ShapeDtypeStruct((BATCH,), jnp.float32),
        scratch_types=[
            pltpu.VMEM((B_PER_W,), jnp.int32),
            pltpu.VMEM((B_PER_W,), jnp.int32),
            pltpu.VMEM((B_PER_W,), jnp.int32),
            pltpu.VMEM((B_PER_W,), jnp.float32),
            pltpu.VMEM((CHUNK * 8,), jnp.float32),
            pltpu.VMEM((CHUNK, HIDDEN), jnp.float32),
            pltpu.VMEM((CHUNK, HIDDEN), jnp.float32),
            pltpu.VMEM((CHUNK, HIDDEN), jnp.float32),
            pltpu.VMEM((CHUNK, HIDDEN), jnp.float32),
            pltpu.VMEM((CHUNK, HIDDEN), jnp.float32),
            pltpu.VMEM((CHUNK, HIDDEN), jnp.float32),
            pltpu.SemaphoreType.DMA,
            pltpu.SemaphoreType.DMA,
        ],
    )(_transe_body)
    return f(entity_emb, relation_emb, head, relation, tail)

# --- scband reference (transcript-rebuilt; emitter-appended) ---
"""Pipeline reference for scband-kgemodel-32435593019781 (READ-ONLY COPY).

The authoritative reference and input builder live on the scoring server;
editing this copy changes nothing except your own understanding.
"""

import jax, jax.numpy as jnp
import numpy as np

NENTITY = 1000000
NRELATION = 1000
HIDDEN = 128
BATCH = 16384
GAMMA = 12.0
EPSILON = 2.0
EMB_RANGE = (GAMMA + EPSILON) / HIDDEN


def setup_inputs(seed: int = 0) -> dict:
    key = jax.random.key(seed)
    k1, k2, k3, k4, k5 = jax.random.split(key, 5)
    head = jax.random.randint(k1, (BATCH,), 0, NENTITY, dtype=jnp.int64) if jax.config.jax_enable_x64 else jax.random.randint(k1, (BATCH,), 0, NENTITY)
    relation = jax.random.randint(k2, (BATCH,), 0, NRELATION)
    tail = jax.random.randint(k3, (BATCH,), 0, NENTITY)
    # Learned parameters sized per init_kwargs (SparseEmbedding init: uniform in [-emb_range, emb_range])
    entity_emb = jax.random.uniform(k4, (NENTITY, HIDDEN), minval=-EMB_RANGE, maxval=EMB_RANGE, dtype=jnp.float32)
    relation_emb = jax.random.uniform(k5, (NRELATION, HIDDEN), minval=-EMB_RANGE, maxval=EMB_RANGE, dtype=jnp.float32)
    return {
        "entity_emb": entity_emb,
        "relation_emb": relation_emb,
        "head": head,
        "relation": relation,
        "tail": tail,
    }


def reference(entity_emb, relation_emb, head, relation, tail):
    # Faithful KGEModel forward ('single' mode) with model_name='TransE':
    # gather head/relation/tail embeddings (SparseEmbedding __call__ is a row gather),
    # then TransE score: gamma - ||h + r - t||_1
    h = jnp.take(entity_emb, head, axis=0)
    r = jnp.take(relation_emb, relation, axis=0)
    t = jnp.take(entity_emb, tail, axis=0)
    score = GAMMA - jnp.sum(jnp.abs(h + r - t), axis=-1)
    return score

if __name__ == "__main__":
    import jax
    _d = setup_inputs()
    print(jax.jit(kernel)(*tuple(_d.values())))

</pallas_src>

<mosaic_0001>
#map = affine_map<(d0, d1) -> (0, 0)>
#map1 = affine_map<(d0, d1) -> (0)>
module attributes {stable_mosaic.version = 14 : i64} {
  func.func @_transe_body(%arg0: i32, %arg1: i32, %arg2: memref<1000000x128xf32, #tpu.memory_space<hbm>>, %arg3: memref<1000x128xf32, #tpu.memory_space<hbm>>, %arg4: memref<16384xi32, #tpu.memory_space<hbm>>, %arg5: memref<16384xi32, #tpu.memory_space<hbm>>, %arg6: memref<16384xi32, #tpu.memory_space<hbm>>, %arg7: memref<16384xf32, #tpu.memory_space<hbm>>, %arg8: memref<512xi32, #tpu.memory_space<vmem>>, %arg9: memref<512xi32, #tpu.memory_space<vmem>>, %arg10: memref<512xi32, #tpu.memory_space<vmem>>, %arg11: memref<512xf32, #tpu.memory_space<vmem>>, %arg12: memref<512xf32, #tpu.memory_space<vmem>>, %arg13: memref<64x128xf32, #tpu.memory_space<vmem>>, %arg14: memref<64x128xf32, #tpu.memory_space<vmem>>, %arg15: memref<64x128xf32, #tpu.memory_space<vmem>>, %arg16: memref<64x128xf32, #tpu.memory_space<vmem>>, %arg17: memref<64x128xf32, #tpu.memory_space<vmem>>, %arg18: memref<64x128xf32, #tpu.memory_space<vmem>>, %arg19: memref<!tpu.dma_semaphore, #tpu.memory_space<semaphore_mem>>, %arg20: memref<!tpu.dma_semaphore, #tpu.memory_space<semaphore_mem>>) attributes {dimension_semantics = [#tpu.dimension_semantics<core_parallel>, #tpu.dimension_semantics<subcore_parallel>], iteration_bounds = array<i64: 2, 16>, scalar_prefetch = 0 : i64, scratch_operands = 13 : i64, tpu.core_type = #tpu.core_type<sc_vector_subcore>, window_params = [{transform_indices = #map}, {transform_indices = #map}, {transform_indices = #map1}, {transform_indices = #map1}, {transform_indices = #map1}, {transform_indices = #map1}]} {
    %mul3A = arith.constant 2 : i32
    %mul3A_0 = arith.muli %arg1, %mul3A : i32
    %add3A = arith.addi %mul3A_0, %arg0 : i32
    %mul3A_1 = arith.constant 512 : i32
    %mul3A_2 = arith.muli %add3A, %mul3A_1 : i32
    %iota3A = tpu.iota {dimensions = array<i32: 0>} : vector<16xi32>
    %lt3A = arith.constant 8 : i32
    %lt3A_3 = vector.broadcast %lt3A : i32 to vector<16xi32>
    %lt3A_4 = arith.cmpi slt, %iota3A, %lt3A_3 : vector<16xi32>
    %shift_right_arithmetic3A = arith.constant 1 : i32
    %shift_right_arithmetic3A_5 = vector.broadcast %shift_right_arithmetic3A : i32 to vector<16xi32>
    %shift_right_arithmetic3A_6 = arith.shrsi %iota3A, %shift_right_arithmetic3A_5 : vector<16xi32>
    %and3A = arith.constant 1 : i32
    %and3A_7 = vector.broadcast %and3A : i32 to vector<16xi32>
    %and3A_8 = arith.andi %iota3A, %and3A_7 : vector<16xi32>
    %mul3A_9 = arith.constant 8 : i32
    %mul3A_10 = vector.broadcast %mul3A_9 : i32 to vector<16xi32>
    %mul3A_11 = arith.muli %and3A_8, %mul3A_10 : vector<16xi32>
    %dma_start3A = tpu.memref_slice %arg4[%mul3A_2] : memref<16384xi32, #tpu.memory_space<hbm>> -> memref<512xi32, #tpu.memory_space<hbm>>
    %dma_start3A_12 = tpu.memref_slice %arg4[%mul3A_2] : memref<16384xi32, #tpu.memory_space<hbm>> -> memref<512xi32, #tpu.memory_space<hbm>>
    tpu.enqueue_dma source(%dma_start3A_12 : memref<512xi32, #tpu.memory_space<hbm>>) target(%arg8 : memref<512xi32, #tpu.memory_space<vmem>>) target_semaphore(%arg19 : memref<!tpu.dma_semaphore, #tpu.memory_space<semaphore_mem>>)
    %dma_start3A_13 = tpu.memref_slice %arg5[%mul3A_2] : memref<16384xi32, #tpu.memory_space<hbm>> -> memref<512xi32, #tpu.memory_space<hbm>>
    %dma_start3A_14 = tpu.memref_slice %arg5[%mul3A_2] : memref<16384xi32, #tpu.memory_space<hbm>> -> memref<512xi32, #tpu.memory_space<hbm>>
    tpu.enqueue_dma source(%dma_start3A_14 : memref<512xi32, #tpu.memory_space<hbm>>) target(%arg9 : memref<512xi32, #tpu.memory_space<vmem>>) target_semaphore(%arg19 : memref<!tpu.dma_semaphore, #tpu.memory_space<semaphore_mem>>)
    %dma_start3A_15 = tpu.memref_slice %arg6[%mul3A_2] : memref<16384xi32, #tpu.memory_space<hbm>> -> memref<512xi32, #tpu.memory_space<hbm>>
    %dma_start3A_16 = tpu.memref_slice %arg6[%mul3A_2] : memref<16384xi32, #tpu.memory_space<hbm>> -> memref<512xi32, #tpu.memory_space<hbm>>
    tpu.enqueue_dma source(%dma_start3A_16 : memref<512xi32, #tpu.memory_space<hbm>>) target(%arg10 : memref<512xi32, #tpu.memory_space<vmem>>) target_semaphore(%arg19 : memref<!tpu.dma_semaphore, #tpu.memory_space<semaphore_mem>>)
    %dma_wait3A = tpu.memref_slice %arg4[%mul3A_2] : memref<16384xi32, #tpu.memory_space<hbm>> -> memref<512xi32, #tpu.memory_space<hbm>>
    %dma_wait3A_17 = tpu.memref_slice %arg4[%mul3A_2] : memref<16384xi32, #tpu.memory_space<hbm>> -> memref<512xi32, #tpu.memory_space<hbm>>
    tpu.wait_dma2 semaphore(%arg19 : memref<!tpu.dma_semaphore, #tpu.memory_space<semaphore_mem>>) src(%dma_wait3A_17 : memref<512xi32, #tpu.memory_space<hbm>>) dst(%arg8 : memref<512xi32, #tpu.memory_space<vmem>>)
    %dma_wait3A_18 = tpu.memref_slice %arg5[%mul3A_2] : memref<16384xi32, #tpu.memory_space<hbm>> -> memref<512xi32, #tpu.memory_space<hbm>>
    %dma_wait3A_19 = tpu.memref_slice %arg5[%mul3A_2] : memref<16384xi32, #tpu.memory_space<hbm>> -> memref<512xi32, #tpu.memory_space<hbm>>
    tpu.wait_dma2 semaphore(%arg19 : memref<!tpu.dma_semaphore, #tpu.memory_space<semaphore_mem>>) src(%dma_wait3A_19 : memref<512xi32, #tpu.memory_space<hbm>>) dst(%arg9 : memref<512xi32, #tpu.memory_space<vmem>>)
    %dma_wait3A_20 = tpu.memref_slice %arg6[%mul3A_2] : memref<16384xi32, #tpu.memory_space<hbm>> -> memref<512xi32, #tpu.memory_space<hbm>>
    %dma_wait3A_21 = tpu.memref_slice %arg6[%mul3A_2] : memref<16384xi32, #tpu.memory_space<hbm>> -> memref<512xi32, #tpu.memory_space<hbm>>
    tpu.wait_dma2 semaphore(%arg19 : memref<!tpu.dma_semaphore, #tpu.memory_space<semaphore_mem>>) src(%dma_wait3A_21 : memref<512xi32, #tpu.memory_space<hbm>>) dst(%arg10 : memref<512xi32, #tpu.memory_space<vmem>>)
    %dma_start3A_22 = arith.constant 0 : i32
    %dma_start3A_23 = tpu.memref_slice %arg8[%dma_start3A_22] : memref<512xi32, #tpu.memory_space<vmem>> -> memref<64xi32, #tpu.memory_space<vmem>>
    %dma_start3A_24 = arith.constant 0 : i32
    %dma_start3A_25 = arith.constant 0 : i32
    %dma_start3A_26 = tpu.memref_slice %arg2[%dma_start3A_24, %dma_start3A_25] : memref<1000000x128xf32, #tpu.memory_space<hbm>> -> memref<1000000x128xf32, #tpu.memory_space<hbm>>
    tpu.enqueue_indirect_dma source(%dma_start3A_26 : memref<1000000x128xf32, #tpu.memory_space<hbm>>) target(%arg13 : memref<64x128xf32, #tpu.memory_space<vmem>>) offsets(%dma_start3A_23 : memref<64xi32, #tpu.memory_space<vmem>>) semaphore(%arg19 : memref<!tpu.dma_semaphore, #tpu.memory_space<semaphore_mem>>)
    %dma_start3A_27 = arith.constant 0 : i32
    %dma_start3A_28 = tpu.memref_slice %arg9[%dma_start3A_27] : memref<512xi32, #tpu.memory_space<vmem>> -> memref<64xi32, #tpu.memory_space<vmem>>
    %dma_start3A_29 = arith.constant 0 : i32
    %dma_start3A_30 = arith.constant 0 : i32
    %dma_start3A_31 = tpu.memref_slice %arg3[%dma_start3A_29, %dma_start3A_30] : memref<1000x128xf32, #tpu.memory_space<hbm>> -> memref<1000x128xf32, #tpu.memory_space<hbm>>
    tpu.enqueue_indirect_dma source(%dma_start3A_31 : memref<1000x128xf32, #tpu.memory_space<hbm>>) target(%arg14 : memref<64x128xf32, #tpu.memory_space<vmem>>) offsets(%dma_start3A_28 : memref<64xi32, #tpu.memory_space<vmem>>) semaphore(%arg19 : memref<!tpu.dma_semaphore, #tpu.memory_space<semaphore_mem>>)
    %dma_start3A_32 = arith.constant 0 : i32
    %dma_start3A_33 = tpu.memref_slice %arg10[%dma_start3A_32] : memref<512xi32, #tpu.memory_space<vmem>> -> memref<64xi32, #tpu.memory_space<vmem>>
    %dma_start3A_34 = arith.constant 0 : i32
    %dma_start3A_35 = arith.constant 0 : i32
    %dma_start3A_36 = tpu.memref_slice %arg2[%dma_start3A_34, %dma_start3A_35] : memref<1000000x128xf32, #tpu.memory_space<hbm>> -> memref<1000000x128xf32, #tpu.memory_space<hbm>>
    tpu.enqueue_indirect_dma source(%dma_start3A_36 : memref<1000000x128xf32, #tpu.memory_space<hbm>>) target(%arg15 : memref<64x128xf32, #tpu.memory_space<vmem>>) offsets(%dma_start3A_33 : memref<64xi32, #tpu.memory_space<vmem>>) semaphore(%arg19 : memref<!tpu.dma_semaphore, #tpu.memory_space<semaphore_mem>>)
    %scan3A = arith.constant 0 : i32
    %scan3A_37 = arith.constant 0 : i32
    %scan3A_38 = arith.constant 4 : i32
    %scan3A_39 = arith.addi %scan3A_37, %scan3A_38 : i32
    %scan3A_40 = arith.constant 1 : i32
    scf.for %scan3A_42 = %scan3A_37 to %scan3A_39 step %scan3A_40  : i32 {
      %mul3A_43 = arith.constant 2 : i32
      %mul3A_44 = arith.muli %mul3A_43, %scan3A_42 : i32
      %add3A_45 = arith.constant 1 : i32
      %add3A_46 = arith.addi %mul3A_44, %add3A_45 : i32
      %mul3A_47 = arith.constant 64 : i32
      %mul3A_48 = arith.muli %add3A_46, %mul3A_47 : i32
      %dma_start3A_49 = tpu.memref_slice %arg8[%mul3A_48] : memref<512xi32, #tpu.memory_space<vmem>> -> memref<64xi32, #tpu.memory_space<vmem>>
      %dma_start3A_50 = arith.constant 0 : i32
      %dma_start3A_51 = arith.constant 0 : i32
      %dma_start3A_52 = tpu.memref_slice %arg2[%dma_start3A_50, %dma_start3A_51] : memref<1000000x128xf32, #tpu.memory_space<hbm>> -> memref<1000000x128xf32, #tpu.memory_space<hbm>>
      tpu.enqueue_indirect_dma source(%dma_start3A_52 : memref<1000000x128xf32, #tpu.memory_space<hbm>>) target(%arg16 : memref<64x128xf32, #tpu.memory_space<vmem>>) offsets(%dma_start3A_49 : memref<64xi32, #tpu.memory_space<vmem>>) semaphore(%arg20 : memref<!tpu.dma_semaphore, #tpu.memory_space<semaphore_mem>>)
      %dma_start3A_53 = tpu.memref_slice %arg9[%mul3A_48] : memref<512xi32, #tpu.memory_space<vmem>> -> memref<64xi32, #tpu.memory_space<vmem>>
      %dma_start3A_54 = arith.constant 0 : i32
      %dma_start3A_55 = arith.constant 0 : i32
      %dma_start3A_56 = tpu.memref_slice %arg3[%dma_start3A_54, %dma_start3A_55] : memref<1000x128xf32, #tpu.memory_space<hbm>> -> memref<1000x128xf32, #tpu.memory_space<hbm>>
      tpu.enqueue_indirect_dma source(%dma_start3A_56 : memref<1000x128xf32, #tpu.memory_space<hbm>>) target(%arg17 : memref<64x128xf32, #tpu.memory_space<vmem>>) offsets(%dma_start3A_53 : memref<64xi32, #tpu.memory_space<vmem>>) semaphore(%arg20 : memref<!tpu.dma_semaphore, #tpu.memory_space<semaphore_mem>>)
      %dma_start3A_57 = tpu.memref_slice %arg10[%mul3A_48] : memref<512xi32, #tpu.memory_space<vmem>> -> memref<64xi32, #tpu.memory_space<vmem>>
      %dma_start3A_58 = arith.constant 0 : i32
      %dma_start3A_59 = arith.constant 0 : i32
      %dma_start3A_60 = tpu.memref_slice %arg2[%dma_start3A_58, %dma_start3A_59] : memref<1000000x128xf32, #tpu.memory_space<hbm>> -> memref<1000000x128xf32, #tpu.memory_space<hbm>>
      tpu.enqueue_indirect_dma source(%dma_start3A_60 : memref<1000000x128xf32, #tpu.memory_space<hbm>>) target(%arg18 : memref<64x128xf32, #tpu.memory_space<vmem>>) offsets(%dma_start3A_57 : memref<64xi32, #tpu.memory_space<vmem>>) semaphore(%arg20 : memref<!tpu.dma_semaphore, #tpu.memory_space<semaphore_mem>>)
      %dma_wait3A_61 = arith.constant 0 : i32
      %dma_wait3A_62 = arith.constant 0 : i32
      %dma_wait3A_63 = tpu.memref_slice %arg2[%dma_wait3A_61, %dma_wait3A_62] : memref<1000000x128xf32, #tpu.memory_space<hbm>> -> memref<64x128xf32, #tpu.memory_space<hbm>>
      %dma_wait3A_64 = arith.constant 0 : i32
      %dma_wait3A_65 = arith.constant 0 : i32
      %dma_wait3A_66 = tpu.memref_slice %arg2[%dma_wait3A_64, %dma_wait3A_65] : memref<1000000x128xf32, #tpu.memory_space<hbm>> -> memref<64x128xf32, #tpu.memory_space<hbm>>
      tpu.wait_dma2 semaphore(%arg19 : memref<!tpu.dma_semaphore, #tpu.memory_space<semaphore_mem>>) src(%dma_wait3A_66 : memref<64x128xf32, #tpu.memory_space<hbm>>) dst(%arg13 : memref<64x128xf32, #tpu.memory_space<vmem>>)
      %dma_wait3A_67 = arith.constant 0 : i32
      %dma_wait3A_68 = arith.constant 0 : i32
      %dma_wait3A_69 = tpu.memref_slice %arg2[%dma_wait3A_67, %dma_wait3A_68] : memref<1000000x128xf32, #tpu.memory_space<hbm>> -> memref<64x128xf32, #tpu.memory_space<hbm>>
      %dma_wait3A_70 = arith.constant 0 : i32
      %dma_wait3A_71 = arith.constant 0 : i32
      %dma_wait3A_72 = tpu.memref_slice %arg2[%dma_wait3A_70, %dma_wait3A_71] : memref<1000000x128xf32, #tpu.memory_space<hbm>> -> memref<64x128xf32, #tpu.memory_space<hbm>>
      tpu.wait_dma2 semaphore(%arg19 : memref<!tpu.dma_semaphore, #tpu.memory_space<semaphore_mem>>) src(%dma_wait3A_72 : memref<64x128xf32, #tpu.memory_space<hbm>>) dst(%arg14 : memref<64x128xf32, #tpu.memory_space<vmem>>)
      %dma_wait3A_73 = arith.constant 0 : i32
      %dma_wait3A_74 = arith.constant 0 : i32
      %dma_wait3A_75 = tpu.memref_slice %arg2[%dma_wait3A_73, %dma_wait3A_74] : memref<1000000x128xf32, #tpu.memory_space<hbm>> -> memref<64x128xf32, #tpu.memory_space<hbm>>
      %dma_wait3A_76 = arith.constant 0 : i32
      %dma_wait3A_77 = arith.constant 0 : i32
      %dma_wait3A_78 = tpu.memref_slice %arg2[%dma_wait3A_76, %dma_wait3A_77] : memref<1000000x128xf32, #tpu.memory_space<hbm>> -> memref<64x128xf32, #tpu.memory_space<hbm>>
      tpu.wait_dma2 semaphore(%arg19 : memref<!tpu.dma_semaphore, #tpu.memory_space<semaphore_mem>>) src(%dma_wait3A_78 : memref<64x128xf32, #tpu.memory_space<hbm>>) dst(%arg15 : memref<64x128xf32, #tpu.memory_space<vmem>>)
      %parallel_loop3A = arith.constant 0 : i32
      %parallel_loop3A_79 = arith.constant 64 : i32
      %parallel_loop3A_80 = arith.constant 2 : i32
      scf.for %parallel_loop3A_107 = %parallel_loop3A to %parallel_loop3A_79 step %parallel_loop3A_80  : i32 {
        %parallel_loop3A_108 = arith.index_cast %parallel_loop3A_107 : i32 to index
        %parallel_loop3A_109 = arith.constant 0 : index
        %parallel_loop3A_110 = tpu.vector_load %arg13[%parallel_loop3A_108, %parallel_loop3A_109] {strides = array<i32>} : memref<64x128xf32, #tpu.memory_space<vmem>>, vector<1x16xf32>,
        %parallel_loop3A_111 = vector.shape_cast %parallel_loop3A_110 : vector<1x16xf32> to vector<16xf32>
        %parallel_loop3A_112 = arith.index_cast %parallel_loop3A_107 : i32 to index
        %parallel_loop3A_113 = arith.constant 0 : index
        %parallel_loop3A_114 = tpu.vector_load %arg14[%parallel_loop3A_112, %parallel_loop3A_113] {strides = array<i32>} : memref<64x128xf32, #tpu.memory_space<vmem>>, vector<1x16xf32>,
        %parallel_loop3A_115 = vector.shape_cast %parallel_loop3A_114 : vector<1x16xf32> to vector<16xf32>
        %parallel_loop3A_116 = arith.index_cast %parallel_loop3A_107 : i32 to index
        %parallel_loop3A_117 = arith.constant 0 : index
        %parallel_loop3A_118 = tpu.vector_load %arg15[%parallel_loop3A_116, %parallel_loop3A_117] {strides = array<i32>} : memref<64x128xf32, #tpu.memory_space<vmem>>, vector<1x16xf32>,
        %parallel_loop3A_119 = vector.shape_cast %parallel_loop3A_118 : vector<1x16xf32> to vector<16xf32>
        %parallel_loop3A_120 = arith.addf %parallel_loop3A_111, %parallel_loop3A_115 : vector<16xf32>
        %parallel_loop3A_121 = arith.subf %parallel_loop3A_120, %parallel_loop3A_119 : vector<16xf32>
        %parallel_loop3A_122 = math.absf %parallel_loop3A_121 : vector<16xf32>
        %parallel_loop3A_123 = arith.index_cast %parallel_loop3A_107 : i32 to index
        %parallel_loop3A_124 = arith.constant 16 : index
        %parallel_loop3A_125 = tpu.vector_load %arg13[%parallel_loop3A_123, %parallel_loop3A_124] {strides = array<i32>} : memref<64x128xf32, #tpu.memory_space<vmem>>, vector<1x16xf32>,
        %parallel_loop3A_126 = vector.shape_cast %parallel_loop3A_125 : vector<1x16xf32> to vector<16xf32>
        %parallel_loop3A_127 = arith.index_cast %parallel_loop3A_107 : i32 to index
        %parallel_loop3A_128 = arith.constant 16 : index
        %parallel_loop3A_129 = tpu.vector_load %arg14[%parallel_loop3A_127, %parallel_loop3A_128] {strides = array<i32>} : memref<64x128xf32, #tpu.memory_space<vmem>>, vector<1x16xf32>,
        %parallel_loop3A_130 = vector.shape_cast %parallel_loop3A_129 : vector<1x16xf32> to vector<16xf32>
        %parallel_loop3A_131 = arith.index_cast %parallel_loop3A_107 : i32 to index
        %parallel_loop3A_132 = arith.constant 16 : index
        %parallel_loop3A_133 = tpu.vector_load %arg15[%parallel_loop3A_131, %parallel_loop3A_132] {strides = array<i32>} : memref<64x128xf32, #tpu.memory_space<vmem>>, vector<1x16xf32>,
        %parallel_loop3A_134 = vector.shape_cast %parallel_loop3A_133 : vector<1x16xf32> to vector<16xf32>
        %parallel_loop3A_135 = arith.addf %parallel_loop3A_126, %parallel_loop3A_130 : vector<16xf32>
        %parallel_loop3A_136 = arith.subf %parallel_loop3A_135, %parallel_loop3A_134 : vector<16xf32>
        %parallel_loop3A_137 = math.absf %parallel_loop3A_136 : vector<16xf32>
        %parallel_loop3A_138 = arith.addf %parallel_loop3A_122, %parallel_loop3A_137 : vector<16xf32>
        %parallel_loop3A_139 = arith.index_cast %parallel_loop3A_107 : i32 to index
        %parallel_loop3A_140 = arith.constant 32 : index
        %parallel_loop3A_141 = tpu.vector_load %arg13[%parallel_loop3A_139, %parallel_loop3A_140] {strides = array<i32>} : memref<64x128xf32, #tpu.memory_space<vmem>>, vector<1x16xf32>,
        %parallel_loop3A_142 = vector.shape_cast %parallel_loop3A_141 : vector<1x16xf32> to vector<16xf32>
        %parallel_loop3A_143 = arith.index_cast %parallel_loop3A_107 : i32 to index
        %parallel_loop3A_144 = arith.constant 32 : index
        %parallel_loop3A_145 = tpu.vector_load %arg14[%parallel_loop3A_143, %parallel_loop3A_144] {strides = array<i32>} : memref<64x128xf32, #tpu.memory_space<vmem>>, vector<1x16xf32>,
        %parallel_loop3A_146 = vector.shape_cast %parallel_loop3A_145 : vector<1x16xf32> to vector<16xf32>
        %parallel_loop3A_147 = arith.index_cast %parallel_loop3A_107 : i32 to index
        %parallel_loop3A_148 = arith.constant 32 : index
        %parallel_loop3A_149 = tpu.vector_load %arg15[%parallel_loop3A_147, %parallel_loop3A_148] {strides = array<i32>} : memref<64x128xf32, #tpu.memory_space<vmem>>, vector<1x16xf32>,
        %parallel_loop3A_150 = vector.shape_cast %parallel_loop3A_149 : vector<1x16xf32> to vector<16xf32>
        %parallel_loop3A_151 = arith.addf %parallel_loop3A_142, %parallel_loop3A_146 : vector<16xf32>
        %parallel_loop3A_152 = arith.subf %parallel_loop3A_151, %parallel_loop3A_150 : vector<16xf32>
        %parallel_loop3A_153 = math.absf %parallel_loop3A_152 : vector<16xf32>
        %parallel_loop3A_154 = arith.addf %parallel_loop3A_138, %parallel_loop3A_153 : vector<16xf32>
        %parallel_loop3A_155 = arith.index_cast %parallel_loop3A_107 : i32 to index
        %parallel_loop3A_156 = arith.constant 48 : index
        %parallel_loop3A_157 = tpu.vector_load %arg13[%parallel_loop3A_155, %parallel_loop3A_156] {strides = array<i32>} : memref<64x128xf32, #tpu.memory_space<vmem>>, vector<1x16xf32>,
        %parallel_loop3A_158 = vector.shape_cast %parallel_loop3A_157 : vector<1x16xf32> to vector<16xf32>
        %parallel_loop3A_159 = arith.index_cast %parallel_loop3A_107 : i32 to index
        %parallel_loop3A_160 = arith.constant 48 : index
        %parallel_loop3A_161 = tpu.vector_load %arg14[%parallel_loop3A_159, %parallel_loop3A_160] {strides = array<i32>} : memref<64x128xf32, #tpu.memory_space<vmem>>, vector<1x16xf32>,
        %parallel_loop3A_162 = vector.shape_cast %parallel_loop3A_161 : vector<1x16xf32> to vector<16xf32>
        %parallel_loop3A_163 = arith.index_cast %parallel_loop3A_107 : i32 to index
        %parallel_loop3A_164 = arith.constant 48 : index
        %parallel_loop3A_165 = tpu.vector_load %arg15[%parallel_loop3A_163, %parallel_loop3A_164] {strides = array<i32>} : memref<64x128xf32, #tpu.memory_space<vmem>>, vector<1x16xf32>,
        %parallel_loop3A_166 = vector.shape_cast %parallel_loop3A_165 : vector<1x16xf32> to vector<16xf32>
        %parallel_loop3A_167 = arith.addf %parallel_loop3A_158, %parallel_loop3A_162 : vector<16xf32>
        %parallel_loop3A_168 = arith.subf %parallel_loop3A_167, %parallel_loop3A_166 : vector<16xf32>
        %parallel_loop3A_169 = math.absf %parallel_loop3A_168 : vector<16xf32>
        %parallel_loop3A_170 = arith.addf %parallel_loop3A_154, %parallel_loop3A_169 : vector<16xf32>
        %parallel_loop3A_171 = arith.index_cast %parallel_loop3A_107 : i32 to index
        %parallel_loop3A_172 = arith.constant 64 : index
        %parallel_loop3A_173 = tpu.vector_load %arg13[%parallel_loop3A_171, %parallel_loop3A_172] {strides = array<i32>} : memref<64x128xf32, #tpu.memory_space<vmem>>, vector<1x16xf32>,
        %parallel_loop3A_174 = vector.shape_cast %parallel_loop3A_173 : vector<1x16xf32> to vector<16xf32>
        %parallel_loop3A_175 = arith.index_cast %parallel_loop3A_107 : i32 to index
        %parallel_loop3A_176 = arith.constant 64 : index
        %parallel_loop3A_177 = tpu.vector_load %arg14[%parallel_loop3A_175, %parallel_loop3A_176] {strides = array<i32>} : memref<64x128xf32, #tpu.memory_space<vmem>>, vector<1x16xf32>,
        %parallel_loop3A_178 = vector.shape_cast %parallel_loop3A_177 : vector<1x16xf32> to vector<16xf32>
        %parallel_loop3A_179 = arith.index_cast %parallel_loop3A_107 : i32 to index
        %parallel_loop3A_180 = arith.constant 64 : index
        %parallel_loop3A_181 = tpu.vector_load %arg15[%parallel_loop3A_179, %parallel_loop3A_180] {strides = array<i32>} : memref<64x128xf32, #tpu.memory_space<vmem>>, vector<1x16xf32>,
        %parallel_loop3A_182 = vector.shape_cast %parallel_loop3A_181 : vector<1x16xf32> to vector<16xf32>
        %parallel_loop3A_183 = arith.addf %parallel_loop3A_174, %parallel_loop3A_178 : vector<16xf32>
        %parallel_loop3A_184 = arith.subf %parallel_loop3A_183, %parallel_loop3A_182 : vector<16xf32>
        %parallel_loop3A_185 = math.absf %parallel_loop3A_184 : vector<16xf32>
        %parallel_loop3A_186 = arith.addf %parallel_loop3A_170, %parallel_loop3A_185 : vector<16xf32>
        %parallel_loop3A_187 = arith.index_cast %parallel_loop3A_107 : i32 to index
        %parallel_loop3A_188 = arith.constant 80 : index
        %parallel_loop3A_189 = tpu.vector_load %arg13[%parallel_loop3A_187, %parallel_loop3A_188] {strides = array<i32>} : memref<64x128xf32, #tpu.memory_space<vmem>>, vector<1x16xf32>,
        %parallel_loop3A_190 = vector.shape_cast %parallel_loop3A_189 : vector<1x16xf32> to vector<16xf32>
        %parallel_loop3A_191 = arith.index_cast %parallel_loop3A_107 : i32 to index
        %parallel_loop3A_192 = arith.constant 80 : index
        %parallel_loop3A_193 = tpu.vector_load %arg14[%parallel_loop3A_191, %parallel_loop3A_192] {strides = array<i32>} : memref<64x128xf32, #tpu.memory_space<vmem>>, vector<1x16xf32>,
        %parallel_loop3A_194 = vector.shape_cast %parallel_loop3A_193 : vector<1x16xf32> to vector<16xf32>
        %parallel_loop3A_195 = arith.index_cast %parallel_loop3A_107 : i32 to index
        %parallel_loop3A_196 = arith.constant 80 : index
        %parallel_loop3A_197 = tpu.vector_load %arg15[%parallel_loop3A_195, %parallel_loop3A_196] {strides = array<i32>} : memref<64x128xf32, #tpu.memory_space<vmem>>, vector<1x16xf32>,
        %parallel_loop3A_198 = vector.shape_cast %parallel_loop3A_197 : vector<1x16xf32> to vector<16xf32>
        %parallel_loop3A_199 = arith.addf %parallel_loop3A_190, %parallel_loop3A_194 : vector<16xf32>
        %parallel_loop3A_200 = arith.subf %parallel_loop3A_199, %parallel_loop3A_198 : vector<16xf32>
        %parallel_loop3A_201 = math.absf %parallel_loop3A_200 : vector<16xf32>
        %parallel_loop3A_202 = arith.addf %parallel_loop3A_186, %parallel_loop3A_201 : vector<16xf32>
        %parallel_loop3A_203 = arith.index_cast %parallel_loop3A_107 : i32 to index
        %parallel_loop3A_204 = arith.constant 96 : index
        %parallel_loop3A_205 = tpu.vector_load %arg13[%parallel_loop3A_203, %parallel_loop3A_204] {strides = array<i32>} : memref<64x128xf32, #tpu.memory_space<vmem>>, vector<1x16xf32>,
        %parallel_loop3A_206 = vector.shape_cast %parallel_loop3A_205 : vector<1x16xf32> to vector<16xf32>
        %parallel_loop3A_207 = arith.index_cast %parallel_loop3A_107 : i32 to index
        %parallel_loop3A_208 = arith.constant 96 : index
        %parallel_loop3A_209 = tpu.vector_load %arg14[%parallel_loop3A_207, %parallel_loop3A_208] {strides = array<i32>} : memref<64x128xf32, #tpu.memory_space<vmem>>, vector<1x16xf32>,
        %parallel_loop3A_210 = vector.shape_cast %parallel_loop3A_209 : vector<1x16xf32> to vector<16xf32>
        %parallel_loop3A_211 = arith.index_cast %parallel_loop3A_107 : i32 to index
        %parallel_loop3A_212 = arith.constant 96 : index
        %parallel_loop3A_213 = tpu.vector_load %arg15[%parallel_loop3A_211, %parallel_loop3A_212] {strides = array<i32>} : memref<64x128xf32, #tpu.memory_space<vmem>>, vector<1x16xf32>,
        %parallel_loop3A_214 = vector.shape_cast %parallel_loop3A_213 : vector<1x16xf32> to vector<16xf32>
        %parallel_loop3A_215 = arith.addf %parallel_loop3A_206, %parallel_loop3A_210 : vector<16xf32>
        %parallel_loop3A_216 = arith.subf %parallel_loop3A_215, %parallel_loop3A_214 : vector<16xf32>
        %parallel_loop3A_217 = math.absf %parallel_loop3A_216 : vector<16xf32>
        %parallel_loop3A_218 = arith.addf %parallel_loop3A_202, %parallel_loop3A_217 : vector<16xf32>
        %parallel_loop3A_219 = arith.index_cast %parallel_loop3A_107 : i32 to index
        %parallel_loop3A_220 = arith.constant 112 : index
        %parallel_loop3A_221 = tpu.vector_load %arg13[%parallel_loop3A_219, %parallel_loop3A_220] {strides = array<i32>} : memref<64x128xf32, #tpu.memory_space<vmem>>, vector<1x16xf32>,
        %parallel_loop3A_222 = vector.shape_cast %parallel_loop3A_221 : vector<1x16xf32> to vector<16xf32>
        %parallel_loop3A_223 = arith.index_cast %parallel_loop3A_107 : i32 to index
        %parallel_loop3A_224 = arith.constant 112 : index
        %parallel_loop3A_225 = tpu.vector_load %arg14[%parallel_loop3A_223, %parallel_loop3A_224] {strides = array<i32>} : memref<64x128xf32, #tpu.memory_space<vmem>>, vector<1x16xf32>,
        %parallel_loop3A_226 = vector.shape_cast %parallel_loop3A_225 : vector<1x16xf32> to vector<16xf32>
        %parallel_loop3A_227 = arith.index_cast %parallel_loop3A_107 : i32 to index
        %parallel_loop3A_228 = arith.constant 112 : index
        %parallel_loop3A_229 = tpu.vector_load %arg15[%parallel_loop3A_227, %parallel_loop3A_228] {strides = array<i32>} : memref<64x128xf32, #tpu.memory_space<vmem>>, vector<1x16xf32>,
        %parallel_loop3A_230 = vector.shape_cast %parallel_loop3A_229 : vector<1x16xf32> to vector<16xf32>
        %parallel_loop3A_231 = arith.addf %parallel_loop3A_222, %parallel_loop3A_226 : vector<16xf32>
        %parallel_loop3A_232 = arith.subf %parallel_loop3A_231, %parallel_loop3A_230 : vector<16xf32>
        %parallel_loop3A_233 = math.absf %parallel_loop3A_232 : vector<16xf32>
        %parallel_loop3A_234 = arith.addf %parallel_loop3A_218, %parallel_loop3A_233 : vector<16xf32>
        %parallel_loop3A_235 = arith.constant 1 : i32
        %parallel_loop3A_236 = arith.addi %parallel_loop3A_107, %parallel_loop3A_235 : i32
        %parallel_loop3A_237 = arith.index_cast %parallel_loop3A_236 : i32 to index
        %parallel_loop3A_238 = arith.constant 0 : index
        %parallel_loop3A_239 = tpu.vector_load %arg13[%parallel_loop3A_237, %parallel_loop3A_238] {strides = array<i32>} : memref<64x128xf32, #tpu.memory_space<vmem>>, vector<1x16xf32>,
        %parallel_loop3A_240 = vector.shape_cast %parallel_loop3A_239 : vector<1x16xf32> to vector<16xf32>
        %parallel_loop3A_241 = arith.index_cast %parallel_loop3A_236 : i32 to index
        %parallel_loop3A_242 = arith.constant 0 : index
        %parallel_loop3A_243 = tpu.vector_load %arg14[%parallel_loop3A_241, %parallel_loop3A_242] {strides = array<i32>} : memref<64x128xf32, #tpu.memory_space<vmem>>, vector<1x16xf32>,
        %parallel_loop3A_244 = vector.shape_cast %parallel_loop3A_243 : vector<1x16xf32> to vector<16xf32>
        %parallel_loop3A_245 = arith.index_cast %parallel_loop3A_236 : i32 to index
        %parallel_loop3A_246 = arith.constant 0 : index
        %parallel_loop3A_247 = tpu.vector_load %arg15[%parallel_loop3A_245, %parallel_loop3A_246] {strides = array<i32>} : memref<64x128xf32, #tpu.memory_space<vmem>>, vector<1x16xf32>,
        %parallel_loop3A_248 = vector.shape_cast %parallel_loop3A_247 : vector<1x16xf32> to vector<16xf32>
        %parallel_loop3A_249 = arith.addf %parallel_loop3A_240, %parallel_loop3A_244 : vector<16xf32>
        %parallel_loop3A_250 = arith.subf %parallel_loop3A_249, %parallel_loop3A_248 : vector<16xf32>
        %parallel_loop3A_251 = math.absf %parallel_loop3A_250 : vector<16xf32>
        %parallel_loop3A_252 = arith.index_cast %parallel_loop3A_236 : i32 to index
        %parallel_loop3A_253 = arith.constant 16 : index
        %parallel_loop3A_254 = tpu.vector_load %arg13[%parallel_loop3A_252, %parallel_loop3A_253] {strides = array<i32>} : memref<64x128xf32, #tpu.memory_space<vmem>>, vector<1x16xf32>,
        %parallel_loop3A_255 = vector.shape_cast %parallel_loop3A_254 : vector<1x16xf32> to vector<16xf32>
        %parallel_loop3A_256 = arith.index_cast %parallel_loop3A_236 : i32 to index
        %parallel_loop3A_257 = arith.constant 16 : index
        %parallel_loop3A_258 = tpu.vector_load %arg14[%parallel_loop3A_256, %parallel_loop3A_257] {strides = array<i32>} : memref<64x128xf32, #tpu.memory_space<vmem>>, vector<1x16xf32>,
        %parallel_loop3A_259 = vector.shape_cast %parallel_loop3A_258 : vector<1x16xf32> to vector<16xf32>
        %parallel_loop3A_260 = arith.index_cast %parallel_loop3A_236 : i32 to index
        %parallel_loop3A_261 = arith.constant 16 : index
        %parallel_loop3A_262 = tpu.vector_load %arg15[%parallel_loop3A_260, %parallel_loop3A_261] {strides = array<i32>} : memref<64x128xf32, #tpu.memory_space<vmem>>, vector<1x16xf32>,
        %parallel_loop3A_263 = vector.shape_cast %parallel_loop3A_262 : vector<1x16xf32> to vector<16xf32>
        %parallel_loop3A_264 = arith.addf %parallel_loop3A_255, %parallel_loop3A_259 : vector<16xf32>
        %parallel_loop3A_265 = arith.subf %parallel_loop3A_264, %parallel_loop3A_263 : vector<16xf32>
        %parallel_loop3A_266 = math.absf %parallel_loop3A_265 : vector<16xf32>
        %parallel_loop3A_267 = arith.addf %parallel_loop3A_251, %parallel_loop3A_266 : vector<16xf32>
        %parallel_loop3A_268 = arith.index_cast %parallel_loop3A_236 : i32 to index
        %parallel_loop3A_269 = arith.constant 32 : index
        %parallel_loop3A_270 = tpu.vector_load %arg13[%parallel_loop3A_268, %parallel_loop3A_269] {strides = array<i32>} : memref<64x128xf32, #tpu.memory_space<vmem>>, vector<1x16xf32>,
        %parallel_loop3A_271 = vector.shape_cast %parallel_loop3A_270 : vector<1x16xf32> to vector<16xf32>
        %parallel_loop3A_272 = arith.index_cast %parallel_loop3A_236 : i32 to index
        %parallel_loop3A_273 = arith.constant 32 : index
        %parallel_loop3A_274 = tpu.vector_load %arg14[%parallel_loop3A_272, %parallel_loop3A_273] {strides = array<i32>} : memref<64x128xf32, #tpu.memory_space<vmem>>, vector<1x16xf32>,
        %parallel_loop3A_275 = vector.shape_cast %parallel_loop3A_274 : vector<1x16xf32> to vector<16xf32>
        %parallel_loop3A_276 = arith.index_cast %parallel_loop3A_236 : i32 to index
        %parallel_loop3A_277 = arith.constant 32 : index
        %parallel_loop3A_278 = tpu.vector_load %arg15[%parallel_loop3A_276, %parallel_loop3A_277] {strides = array<i32>} : memref<64x128xf32, #tpu.memory_space<vmem>>, vector<1x16xf32>,
        %parallel_loop3A_279 = vector.shape_cast %parallel_loop3A_278 : vector<1x16xf32> to vector<16xf32>
        %parallel_loop3A_280 = arith.addf %parallel_loop3A_271, %parallel_loop3A_275 : vector<16xf32>
        %parallel_loop3A_281 = arith.subf %parallel_loop3A_280, %parallel_loop3A_279 : vector<16xf32>
        %parallel_loop3A_282 = math.absf %parallel_loop3A_281 : vector<16xf32>
        %parallel_loop3A_283 = arith.addf %parallel_loop3A_267, %parallel_loop3A_282 : vector<16xf32>
        %parallel_loop3A_284 = arith.index_cast %parallel_loop3A_236 : i32 to index
        %parallel_loop3A_285 = arith.constant 48 : index
        %parallel_loop3A_286 = tpu.vector_load %arg13[%parallel_loop3A_284, %parallel_loop3A_285] {strides = array<i32>} : memref<64x128xf32, #tpu.memory_space<vmem>>, vector<1x16xf32>,
        %parallel_loop3A_287 = vector.shape_cast %parallel_loop3A_286 : vector<1x16xf32> to vector<16xf32>
        %parallel_loop3A_288 = arith.index_cast %parallel_loop3A_236 : i32 to index
        %parallel_loop3A_289 = arith.constant 48 : index
        %parallel_loop3A_290 = tpu.vector_load %arg14[%parallel_loop3A_288, %parallel_loop3A_289] {strides = array<i32>} : memref<64x128xf32, #tpu.memory_space<vmem>>, vector<1x16xf32>,
        %parallel_loop3A_291 = vector.shape_cast %parallel_loop3A_290 : vector<1x16xf32> to vector<16xf32>
        %parallel_loop3A_292 = arith.index_cast %parallel_loop3A_236 : i32 to index
        %parallel_loop3A_293 = arith.constant 48 : index
        %parallel_loop3A_294 = tpu.vector_load %arg15[%parallel_loop3A_292, %parallel_loop3A_293] {strides = array<i32>} : memref<64x128xf32, #tpu.memory_space<vmem>>, vector<1x16xf32>,
        %parallel_loop3A_295 = vector.shape_cast %parallel_loop3A_294 : vector<1x16xf32> to vector<16xf32>
        %parallel_loop3A_296 = arith.addf %parallel_loop3A_287, %parallel_loop3A_291 : vector<16xf32>
        %parallel_loop3A_297 = arith.subf %parallel_loop3A_296, %parallel_loop3A_295 : vector<16xf32>
        %parallel_loop3A_298 = math.absf %parallel_loop3A_297 : vector<16xf32>
        %parallel_loop3A_299 = arith.addf %parallel_loop3A_283, %parallel_loop3A_298 : vector<16xf32>
        %parallel_loop3A_300 = arith.index_cast %parallel_loop3A_236 : i32 to index
        %parallel_loop3A_301 = arith.constant 64 : index
        %parallel_loop3A_302 = tpu.vector_load %arg13[%parallel_loop3A_300, %parallel_loop3A_301] {strides = array<i32>} : memref<64x128xf32, #tpu.memory_space<vmem>>, vector<1x16xf32>,
        %parallel_loop3A_303 = vector.shape_cast %parallel_loop3A_302 : vector<1x16xf32> to vector<16xf32>
        %parallel_loop3A_304 = arith.index_cast %parallel_loop3A_236 : i32 to index
        %parallel_loop3A_305 = arith.constant 64 : index
        %parallel_loop3A_306 = tpu.vector_load %arg14[%parallel_loop3A_304, %parallel_loop3A_305] {strides = array<i32>} : memref<64x128xf32, #tpu.memory_space<vmem>>, vector<1x16xf32>,
        %parallel_loop3A_307 = vector.shape_cast %parallel_loop3A_306 : vector<1x16xf32> to vector<16xf32>
        %parallel_loop3A_308 = arith.index_cast %parallel_loop3A_236 : i32 to index
        %parallel_loop3A_309 = arith.constant 64 : index
        %parallel_loop3A_310 = tpu.vector_load %arg15[%parallel_loop3A_308, %parallel_loop3A_309] {strides = array<i32>} : memref<64x128xf32, #tpu.memory_space<vmem>>, vector<1x16xf32>,
        %parallel_loop3A_311 = vector.shape_cast %parallel_loop3A_310 : vector<1x16xf32> to vector<16xf32>
        %parallel_loop3A_312 = arith.addf %parallel_loop3A_303, %parallel_loop3A_307 : vector<16xf32>
        %parallel_loop3A_313 = arith.subf %parallel_loop3A_312, %parallel_loop3A_311 : vector<16xf32>
        %parallel_loop3A_314 = math.absf %parallel_loop3A_313 : vector<16xf32>
        %parallel_loop3A_315 = arith.addf %parallel_loop3A_299, %parallel_loop3A_314 : vector<16xf32>
        %parallel_loop3A_316 = arith.index_cast %parallel_loop3A_236 : i32 to index
        %parallel_loop3A_317 = arith.constant 80 : index
        %parallel_loop3A_318 = tpu.vector_load %arg13[%parallel_loop3A_316, %parallel_loop3A_317] {strides = array<i32>} : memref<64x128xf32, #tpu.memory_space<vmem>>, vector<1x16xf32>,
        %parallel_loop3A_319 = vector.shape_cast %parallel_loop3A_318 : vector<1x16xf32> to vector<16xf32>
        %parallel_loop3A_320 = arith.index_cast %parallel_loop3A_236 : i32 to index
        %parallel_loop3A_321 = arith.constant 80 : index
        %parallel_loop3A_322 = tpu.vector_load %arg14[%parallel_loop3A_320, %parallel_loop3A_321] {strides = array<i32>} : memref<64x128xf32, #tpu.memory_space<vmem>>, vector<1x16xf32>,
        %parallel_loop3A_323 = vector.shape_cast %parallel_loop3A_322 : vector<1x16xf32> to vector<16xf32>
        %parallel_loop3A_324 = arith.index_cast %parallel_loop3A_236 : i32 to index
        %parallel_loop3A_325 = arith.constant 80 : index
        %parallel_loop3A_326 = tpu.vector_load %arg15[%parallel_loop3A_324, %parallel_loop3A_325] {strides = array<i32>} : memref<64x128xf32, #tpu.memory_space<vmem>>, vector<1x16xf32>,
        %parallel_loop3A_327 = vector.shape_cast %parallel_loop3A_326 : vector<1x16xf32> to vector<16xf32>
        %parallel_loop3A_328 = arith.addf %parallel_loop3A_319, %parallel_loop3A_323 : vector<16xf32>
        %parallel_loop3A_329 = arith.subf %parallel_loop3A_328, %parallel_loop3A_327 : vector<16xf32>
        %parallel_loop3A_330 = math.absf %parallel_loop3A_329 : vector<16xf32>
        %parallel_loop3A_331 = arith.addf %parallel_loop3A_315, %parallel_loop3A_330 : vector<16xf32>
        %parallel_loop3A_332 = arith.index_cast %parallel_loop3A_236 : i32 to index
        %parallel_loop3A_333 = arith.constant 96 : index
        %parallel_loop3A_334 = tpu.vector_load %arg13[%parallel_loop3A_332, %parallel_loop3A_333] {strides = array<i32>} : memref<64x128xf32, #tpu.memory_space<vmem>>, vector<1x16xf32>,
        %parallel_loop3A_335 = vector.shape_cast %parallel_loop3A_334 : vector<1x16xf32> to vector<16xf32>
        %parallel_loop3A_336 = arith.index_cast %parallel_loop3A_236 : i32 to index
        %parallel_loop3A_337 = arith.constant 96 : index
        %parallel_loop3A_338 = tpu.vector_load %arg14[%parallel_loop3A_336, %parallel_loop3A_337] {strides = array<i32>} : memref<64x128xf32, #tpu.memory_space<vmem>>, vector<1x16xf32>,
        %parallel_loop3A_339 = vector.shape_cast %parallel_loop3A_338 : vector<1x16xf32> to vector<16xf32>
        %parallel_loop3A_340 = arith.index_cast %parallel_loop3A_236 : i32 to index
        %parallel_loop3A_341 = arith.constant 96 : index
        %parallel_loop3A_342 = tpu.vector_load %arg15[%parallel_loop3A_340, %parallel_loop3A_341] {strides = array<i32>} : memref<64x128xf32, #tpu.memory_space<vmem>>, vector<1x16xf32>,
        %parallel_loop3A_343 = vector.shape_cast %parallel_loop3A_342 : vector<1x16xf32> to vector<16xf32>
        %parallel_loop3A_344 = arith.addf %parallel_loop3A_335, %parallel_loop3A_339 : vector<16xf32>
        %parallel_loop3A_345 = arith.subf %parallel_loop3A_344, %parallel_loop3A_343 : vector<16xf32>
        %parallel_loop3A_346 = math.absf %parallel_loop3A_345 : vector<16xf32>
        %parallel_loop3A_347 = arith.addf %parallel_loop3A_331, %parallel_loop3A_346 : vector<16xf32>
        %parallel_loop3A_348 = arith.index_cast %parallel_loop3A_236 : i32 to index
        %parallel_loop3A_349 = arith.constant 112 : index
        %parallel_loop3A_350 = tpu.vector_load %arg13[%parallel_loop3A_348, %parallel_loop3A_349] {strides = array<i32>} : memref<64x128xf32, #tpu.memory_space<vmem>>, vector<1x16xf32>,
        %parallel_loop3A_351 = vector.shape_cast %parallel_loop3A_350 : vector<1x16xf32> to vector<16xf32>
        %parallel_loop3A_352 = arith.index_cast %parallel_loop3A_236 : i32 to index
        %parallel_loop3A_353 = arith.constant 112 : index
        %parallel_loop3A_354 = tpu.vector_load %arg14[%parallel_loop3A_352, %parallel_loop3A_353] {strides = array<i32>} : memref<64x128xf32, #tpu.memory_space<vmem>>, vector<1x16xf32>,
        %parallel_loop3A_355 = vector.shape_cast %parallel_loop3A_354 : vector<1x16xf32> to vector<16xf32>
        %parallel_loop3A_356 = arith.index_cast %parallel_loop3A_236 : i32 to index
        %parallel_loop3A_357 = arith.constant 112 : index
        %parallel_loop3A_358 = tpu.vector_load %arg15[%parallel_loop3A_356, %parallel_loop3A_357] {strides = array<i32>} : memref<64x128xf32, #tpu.memory_space<vmem>>, vector<1x16xf32>,
        %parallel_loop3A_359 = vector.shape_cast %parallel_loop3A_358 : vector<1x16xf32> to vector<16xf32>
        %parallel_loop3A_360 = arith.addf %parallel_loop3A_351, %parallel_loop3A_355 : vector<16xf32>
        %parallel_loop3A_361 = arith.subf %parallel_loop3A_360, %parallel_loop3A_359 : vector<16xf32>
        %parallel_loop3A_362 = math.absf %parallel_loop3A_361 : vector<16xf32>
        %parallel_loop3A_363 = arith.addf %parallel_loop3A_347, %parallel_loop3A_362 : vector<16xf32>
        %parallel_loop3A_364 = arith.constant 8 : i32
        %parallel_loop3A_365 = vector.broadcast %parallel_loop3A_364 : i32 to vector<16xi32>
        %parallel_loop3A_366 = arith.xori %iota3A, %parallel_loop3A_365 : vector<16xi32>
        %parallel_loop3A_367 = arith.constant 0 : i32
        %parallel_loop3A_368 = vector.broadcast %parallel_loop3A_367 : i32 to vector<16xi32>
        %parallel_loop3A_369 = arith.cmpi slt, %parallel_loop3A_366, %parallel_loop3A_368 : vector<16xi32>
        %parallel_loop3A_370 = arith.constant 16 : i32
        %parallel_loop3A_371 = vector.broadcast %parallel_loop3A_370 : i32 to vector<16xi32>
        %parallel_loop3A_372 = arith.addi %parallel_loop3A_366, %parallel_loop3A_371 : vector<16xi32>
        %parallel_loop3A_373 = arith.select %parallel_loop3A_369, %parallel_loop3A_372, %parallel_loop3A_366 : vector<16xi1>, vector<16xi32>
        %parallel_loop3A_374 = vector.shape_cast %parallel_loop3A_373 : vector<16xi32> to vector<16x1xi32>
        %parallel_loop3A_375 = vector.shape_cast %parallel_loop3A_374 : vector<16x1xi32> to vector<16xi32>
        %parallel_loop3A_376 = tpu.dynamic_gather %parallel_loop3A_234[%parallel_loop3A_375] in [0] : vector<16xf32>, vector<16xi32> -> vector<16xf32>
        %parallel_loop3A_377 = arith.addf %parallel_loop3A_234, %parallel_loop3A_376 : vector<16xf32>
        %parallel_loop3A_378 = arith.constant 8 : i32
        %parallel_loop3A_379 = vector.broadcast %parallel_loop3A_378 : i32 to vector<16xi32>
        %parallel_loop3A_380 = arith.xori %iota3A, %parallel_loop3A_379 : vector<16xi32>
        %parallel_loop3A_381 = arith.constant 0 : i32
        %parallel_loop3A_382 = vector.broadcast %parallel_loop3A_381 : i32 to vector<16xi32>
        %parallel_loop3A_383 = arith.cmpi slt, %parallel_loop3A_380, %parallel_loop3A_382 : vector<16xi32>
        %parallel_loop3A_384 = arith.constant 16 : i32
        %parallel_loop3A_385 = vector.broadcast %parallel_loop3A_384 : i32 to vector<16xi32>
        %parallel_loop3A_386 = arith.addi %parallel_loop3A_380, %parallel_loop3A_385 : vector<16xi32>
        %parallel_loop3A_387 = arith.select %parallel_loop3A_383, %parallel_loop3A_386, %parallel_loop3A_380 : vector<16xi1>, vector<16xi32>
        %parallel_loop3A_388 = vector.shape_cast %parallel_loop3A_387 : vector<16xi32> to vector<16x1xi32>
        %parallel_loop3A_389 = vector.shape_cast %parallel_loop3A_388 : vector<16x1xi32> to vector<16xi32>
        %parallel_loop3A_390 = tpu.dynamic_gather %parallel_loop3A_363[%parallel_loop3A_389] in [0] : vector<16xf32>, vector<16xi32> -> vector<16xf32>
        %parallel_loop3A_391 = arith.addf %parallel_loop3A_363, %parallel_loop3A_390 : vector<16xf32>
        %parallel_loop3A_392 = arith.select %lt3A_4, %parallel_loop3A_377, %parallel_loop3A_391 : vector<16xi1>, vector<16xf32>
        %parallel_loop3A_393 = arith.constant 4 : i32
        %parallel_loop3A_394 = vector.broadcast %parallel_loop3A_393 : i32 to vector<16xi32>
        %parallel_loop3A_395 = arith.xori %iota3A, %parallel_loop3A_394 : vector<16xi32>
        %parallel_loop3A_396 = arith.constant 0 : i32
        %parallel_loop3A_397 = vector.broadcast %parallel_loop3A_396 : i32 to vector<16xi32>
        %parallel_loop3A_398 = arith.cmpi slt, %parallel_loop3A_395, %parallel_loop3A_397 : vector<16xi32>
        %parallel_loop3A_399 = arith.constant 16 : i32
        %parallel_loop3A_400 = vector.broadcast %parallel_loop3A_399 : i32 to vector<16xi32>
        %parallel_loop3A_401 = arith.addi %parallel_loop3A_395, %parallel_loop3A_400 : vector<16xi32>
        %parallel_loop3A_402 = arith.select %parallel_loop3A_398, %parallel_loop3A_401, %parallel_loop3A_395 : vector<16xi1>, vector<16xi32>
        %parallel_loop3A_403 = vector.shape_cast %parallel_loop3A_402 : vector<16xi32> to vector<16x1xi32>
        %parallel_loop3A_404 = vector.shape_cast %parallel_loop3A_403 : vector<16x1xi32> to vector<16xi32>
        %parallel_loop3A_405 = tpu.dynamic_gather %parallel_loop3A_392[%parallel_loop3A_404] in [0] : vector<16xf32>, vector<16xi32> -> vector<16xf32>
        %parallel_loop3A_406 = arith.addf %parallel_loop3A_392, %parallel_loop3A_405 : vector<16xf32>
        %parallel_loop3A_407 = arith.constant 2 : i32
        %parallel_loop3A_408 = vector.broadcast %parallel_loop3A_407 : i32 to vector<16xi32>
        %parallel_loop3A_409 = arith.xori %iota3A, %parallel_loop3A_408 : vector<16xi32>
        %parallel_loop3A_410 = arith.constant 0 : i32
        %parallel_loop3A_411 = vector.broadcast %parallel_loop3A_410 : i32 to vector<16xi32>
        %parallel_loop3A_412 = arith.cmpi slt, %parallel_loop3A_409, %parallel_loop3A_411 : vector<16xi32>
        %parallel_loop3A_413 = arith.constant 16 : i32
        %parallel_loop3A_414 = vector.broadcast %parallel_loop3A_413 : i32 to vector<16xi32>
        %parallel_loop3A_415 = arith.addi %parallel_loop3A_409, %parallel_loop3A_414 : vector<16xi32>
        %parallel_loop3A_416 = arith.select %parallel_loop3A_412, %parallel_loop3A_415, %parallel_loop3A_409 : vector<16xi1>, vector<16xi32>
        %parallel_loop3A_417 = vector.shape_cast %parallel_loop3A_416 : vector<16xi32> to vector<16x1xi32>
        %parallel_loop3A_418 = vector.shape_cast %parallel_loop3A_417 : vector<16x1xi32> to vector<16xi32>
        %parallel_loop3A_419 = tpu.dynamic_gather %parallel_loop3A_406[%parallel_loop3A_418] in [0] : vector<16xf32>, vector<16xi32> -> vector<16xf32>
        %parallel_loop3A_420 = arith.addf %parallel_loop3A_406, %parallel_loop3A_419 : vector<16xf32>
        %parallel_loop3A_421 = arith.constant 1 : i32
        %parallel_loop3A_422 = vector.broadcast %parallel_loop3A_421 : i32 to vector<16xi32>
        %parallel_loop3A_423 = arith.xori %iota3A, %parallel_loop3A_422 : vector<16xi32>
        %parallel_loop3A_424 = arith.constant 0 : i32
        %parallel_loop3A_425 = vector.broadcast %parallel_loop3A_424 : i32 to vector<16xi32>
        %parallel_loop3A_426 = arith.cmpi slt, %parallel_loop3A_423, %parallel_loop3A_425 : vector<16xi32>
        %parallel_loop3A_427 = arith.constant 16 : i32
        %parallel_loop3A_428 = vector.broadcast %parallel_loop3A_427 : i32 to vector<16xi32>
        %parallel_loop3A_429 = arith.addi %parallel_loop3A_423, %parallel_loop3A_428 : vector<16xi32>
        %parallel_loop3A_430 = arith.select %parallel_loop3A_426, %parallel_loop3A_429, %parallel_loop3A_423 : vector<16xi1>, vector<16xi32>
        %parallel_loop3A_431 = vector.shape_cast %parallel_loop3A_430 : vector<16xi32> to vector<16x1xi32>
        %parallel_loop3A_432 = vector.shape_cast %parallel_loop3A_431 : vector<16x1xi32> to vector<16xi32>
        %parallel_loop3A_433 = tpu.dynamic_gather %parallel_loop3A_420[%parallel_loop3A_432] in [0] : vector<16xf32>, vector<16xi32> -> vector<16xf32>
        %parallel_loop3A_434 = arith.addf %parallel_loop3A_420, %parallel_loop3A_433 : vector<16xf32>
        %parallel_loop3A_435 = arith.constant 8 : i32
        %parallel_loop3A_436 = arith.muli %parallel_loop3A_107, %parallel_loop3A_435 : i32
        %parallel_loop3A_437 = arith.index_cast %parallel_loop3A_436 : i32 to index
        %parallel_loop3A_438 = tpu.vector_load %arg12[%parallel_loop3A_437] {strides = array<i32>} : memref<512xf32, #tpu.memory_space<vmem>>, vector<16xf32>,
        %parallel_loop3A_439 = vector.shape_cast %parallel_loop3A_438 : vector<16xf32> to vector<16xf32>
        %parallel_loop3A_440 = vector.shape_cast %parallel_loop3A_434 : vector<16xf32> to vector<16xf32>
        tpu.vector_store %arg12[%parallel_loop3A_437], %parallel_loop3A_440 {strides = array<i32>} : memref<512xf32, #tpu.memory_space<vmem>>, vector<16xf32>,
      } {sc.loop_unroll_factor = 1 : i64, sc.parallel_access}
      %parallel_loop3A_81 = arith.constant 0 : i32
      %parallel_loop3A_82 = arith.constant 4 : i32
      %parallel_loop3A_83 = arith.constant 1 : i32
      scf.for %parallel_loop3A_107 = %parallel_loop3A_81 to %parallel_loop3A_82 step %parallel_loop3A_83  : i32 {
        %parallel_loop3A_108 = arith.constant 0.000000e+00 : f32
        %parallel_loop3A_109 = vector.broadcast %parallel_loop3A_108 : f32 to vector<16xf32>
        %parallel_loop3A_110 = arith.constant 8 : i32
        %parallel_loop3A_111 = arith.muli %parallel_loop3A_110, %parallel_loop3A_107 : i32
        %parallel_loop3A_112 = arith.constant 0 : i32
        %parallel_loop3A_113 = arith.addi %parallel_loop3A_111, %parallel_loop3A_112 : i32
        %parallel_loop3A_114 = arith.constant 16 : i32
        %parallel_loop3A_115 = arith.muli %parallel_loop3A_113, %parallel_loop3A_114 : i32
        %parallel_loop3A_116 = arith.index_cast %parallel_loop3A_115 : i32 to index
        %parallel_loop3A_117 = tpu.vector_load %arg12[%parallel_loop3A_116] {strides = array<i32>} : memref<512xf32, #tpu.memory_space<vmem>>, vector<16xf32>,
        %parallel_loop3A_118 = vector.shape_cast %parallel_loop3A_117 : vector<16xf32> to vector<16xf32>
        %parallel_loop3A_119 = arith.constant 0 : i32
        %parallel_loop3A_120 = vector.broadcast %parallel_loop3A_119 : i32 to vector<16xi32>
        %parallel_loop3A_121 = arith.cmpi eq, %shift_right_arithmetic3A_6, %parallel_loop3A_120 : vector<16xi32>
        %parallel_loop3A_122 = arith.constant 0 : i32
        %parallel_loop3A_123 = vector.broadcast %parallel_loop3A_122 : i32 to vector<16xi32>
        %parallel_loop3A_124 = arith.cmpi slt, %mul3A_11, %parallel_loop3A_123 : vector<16xi32>
        %parallel_loop3A_125 = arith.constant 16 : i32
        %parallel_loop3A_126 = vector.broadcast %parallel_loop3A_125 : i32 to vector<16xi32>
        %parallel_loop3A_127 = arith.addi %mul3A_11, %parallel_loop3A_126 : vector<16xi32>
        %parallel_loop3A_128 = arith.select %parallel_loop3A_124, %parallel_loop3A_127, %mul3A_11 : vector<16xi1>, vector<16xi32>
        %parallel_loop3A_129 = vector.shape_cast %parallel_loop3A_128 : vector<16xi32> to vector<16x1xi32>
        %parallel_loop3A_130 = vector.shape_cast %parallel_loop3A_129 : vector<16x1xi32> to vector<16xi32>
        %parallel_loop3A_131 = tpu.dynamic_gather %parallel_loop3A_118[%parallel_loop3A_130] in [0] : vector<16xf32>, vector<16xi32> -> vector<16xf32>
        %parallel_loop3A_132 = arith.select %parallel_loop3A_121, %parallel_loop3A_131, %parallel_loop3A_109 : vector<16xi1>, vector<16xf32>
        %parallel_loop3A_133 = arith.constant 8 : i32
        %parallel_loop3A_134 = arith.muli %parallel_loop3A_133, %parallel_loop3A_107 : i32
        %parallel_loop3A_135 = arith.constant 1 : i32
        %parallel_loop3A_136 = arith.addi %parallel_loop3A_134, %parallel_loop3A_135 : i32
        %parallel_loop3A_137 = arith.constant 16 : i32
        %parallel_loop3A_138 = arith.muli %parallel_loop3A_136, %parallel_loop3A_137 : i32
        %parallel_loop3A_139 = arith.index_cast %parallel_loop3A_138 : i32 to index
        %parallel_loop3A_140 = tpu.vector_load %arg12[%parallel_loop3A_139] {strides = array<i32>} : memref<512xf32, #tpu.memory_space<vmem>>, vector<16xf32>,
        %parallel_loop3A_141 = vector.shape_cast %parallel_loop3A_140 : vector<16xf32> to vector<16xf32>
        %parallel_loop3A_142 = arith.constant 1 : i32
        %parallel_loop3A_143 = vector.broadcast %parallel_loop3A_142 : i32 to vector<16xi32>
        %parallel_loop3A_144 = arith.cmpi eq, %shift_right_arithmetic3A_6, %parallel_loop3A_143 : vector<16xi32>
        %parallel_loop3A_145 = arith.constant 0 : i32
        %parallel_loop3A_146 = vector.broadcast %parallel_loop3A_145 : i32 to vector<16xi32>
        %parallel_loop3A_147 = arith.cmpi slt, %mul3A_11, %parallel_loop3A_146 : vector<16xi32>
        %parallel_loop3A_148 = arith.constant 16 : i32
        %parallel_loop3A_149 = vector.broadcast %parallel_loop3A_148 : i32 to vector<16xi32>
        %parallel_loop3A_150 = arith.addi %mul3A_11, %parallel_loop3A_149 : vector<16xi32>
        %parallel_loop3A_151 = arith.select %parallel_loop3A_147, %parallel_loop3A_150, %mul3A_11 : vector<16xi1>, vector<16xi32>
        %parallel_loop3A_152 = vector.shape_cast %parallel_loop3A_151 : vector<16xi32> to vector<16x1xi32>
        %parallel_loop3A_153 = vector.shape_cast %parallel_loop3A_152 : vector<16x1xi32> to vector<16xi32>
        %parallel_loop3A_154 = tpu.dynamic_gather %parallel_loop3A_141[%parallel_loop3A_153] in [0] : vector<16xf32>, vector<16xi32> -> vector<16xf32>
        %parallel_loop3A_155 = arith.select %parallel_loop3A_144, %parallel_loop3A_154, %parallel_loop3A_132 : vector<16xi1>, vector<16xf32>
        %parallel_loop3A_156 = arith.constant 8 : i32
        %parallel_loop3A_157 = arith.muli %parallel_loop3A_156, %parallel_loop3A_107 : i32
        %parallel_loop3A_158 = arith.constant 2 : i32
        %parallel_loop3A_159 = arith.addi %parallel_loop3A_157, %parallel_loop3A_158 : i32
        %parallel_loop3A_160 = arith.constant 16 : i32
        %parallel_loop3A_161 = arith.muli %parallel_loop3A_159, %parallel_loop3A_160 : i32
        %parallel_loop3A_162 = arith.index_cast %parallel_loop3A_161 : i32 to index
        %parallel_loop3A_163 = tpu.vector_load %arg12[%parallel_loop3A_162] {strides = array<i32>} : memref<512xf32, #tpu.memory_space<vmem>>, vector<16xf32>,
        %parallel_loop3A_164 = vector.shape_cast %parallel_loop3A_163 : vector<16xf32> to vector<16xf32>
        %parallel_loop3A_165 = arith.constant 2 : i32
        %parallel_loop3A_166 = vector.broadcast %parallel_loop3A_165 : i32 to vector<16xi32>
        %parallel_loop3A_167 = arith.cmpi eq, %shift_right_arithmetic3A_6, %parallel_loop3A_166 : vector<16xi32>
        %parallel_loop3A_168 = arith.constant 0 : i32
        %parallel_loop3A_169 = vector.broadcast %parallel_loop3A_168 : i32 to vector<16xi32>
        %parallel_loop3A_170 = arith.cmpi slt, %mul3A_11, %parallel_loop3A_169 : vector<16xi32>
        %parallel_loop3A_171 = arith.constant 16 : i32
        %parallel_loop3A_172 = vector.broadcast %parallel_loop3A_171 : i32 to vector<16xi32>
        %parallel_loop3A_173 = arith.addi %mul3A_11, %parallel_loop3A_172 : vector<16xi32>
        %parallel_loop3A_174 = arith.select %parallel_loop3A_170, %parallel_loop3A_173, %mul3A_11 : vector<16xi1>, vector<16xi32>
        %parallel_loop3A_175 = vector.shape_cast %parallel_loop3A_174 : vector<16xi32> to vector<16x1xi32>
        %parallel_loop3A_176 = vector.shape_cast %parallel_loop3A_175 : vector<16x1xi32> to vector<16xi32>
        %parallel_loop3A_177 = tpu.dynamic_gather %parallel_loop3A_164[%parallel_loop3A_176] in [0] : vector<16xf32>, vector<16xi32> -> vector<16xf32>
        %parallel_loop3A_178 = arith.select %parallel_loop3A_167, %parallel_loop3A_177, %parallel_loop3A_155 : vector<16xi1>, vector<16xf32>
        %parallel_loop3A_179 = arith.constant 8 : i32
        %parallel_loop3A_180 = arith.muli %parallel_loop3A_179, %parallel_loop3A_107 : i32
        %parallel_loop3A_181 = arith.constant 3 : i32
        %parallel_loop3A_182 = arith.addi %parallel_loop3A_180, %parallel_loop3A_181 : i32
        %parallel_loop3A_183 = arith.constant 16 : i32
        %parallel_loop3A_184 = arith.muli %parallel_loop3A_182, %parallel_loop3A_183 : i32
        %parallel_loop3A_185 = arith.index_cast %parallel_loop3A_184 : i32 to index
        %parallel_loop3A_186 = tpu.vector_load %arg12[%parallel_loop3A_185] {strides = array<i32>} : memref<512xf32, #tpu.memory_space<vmem>>, vector<16xf32>,
        %parallel_loop3A_187 = vector.shape_cast %parallel_loop3A_186 : vector<16xf32> to vector<16xf32>
        %parallel_loop3A_188 = arith.constant 3 : i32
        %parallel_loop3A_189 = vector.broadcast %parallel_loop3A_188 : i32 to vector<16xi32>
        %parallel_loop3A_190 = arith.cmpi eq, %shift_right_arithmetic3A_6, %parallel_loop3A_189 : vector<16xi32>
        %parallel_loop3A_191 = arith.constant 0 : i32
        %parallel_loop3A_192 = vector.broadcast %parallel_loop3A_191 : i32 to vector<16xi32>
        %parallel_loop3A_193 = arith.cmpi slt, %mul3A_11, %parallel_loop3A_192 : vector<16xi32>
        %parallel_loop3A_194 = arith.constant 16 : i32
        %parallel_loop3A_195 = vector.broadcast %parallel_loop3A_194 : i32 to vector<16xi32>
        %parallel_loop3A_196 = arith.addi %mul3A_11, %parallel_loop3A_195 : vector<16xi32>
        %parallel_loop3A_197 = arith.select %parallel_loop3A_193, %parallel_loop3A_196, %mul3A_11 : vector<16xi1>, vector<16xi32>
        %parallel_loop3A_198 = vector.shape_cast %parallel_loop3A_197 : vector<16xi32> to vector<16x1xi32>
        %parallel_loop3A_199 = vector.shape_cast %parallel_loop3A_198 : vector<16x1xi32> to vector<16xi32>
        %parallel_loop3A_200 = tpu.dynamic_gather %parallel_loop3A_187[%parallel_loop3A_199] in [0] : vector<16xf32>, vector<16xi32> -> vector<16xf32>
        %parallel_loop3A_201 = arith.select %parallel_loop3A_190, %parallel_loop3A_200, %parallel_loop3A_178 : vector<16xi1>, vector<16xf32>
        %parallel_loop3A_202 = arith.constant 8 : i32
        %parallel_loop3A_203 = arith.muli %parallel_loop3A_202, %parallel_loop3A_107 : i32
        %parallel_loop3A_204 = arith.constant 4 : i32
        %parallel_loop3A_205 = arith.addi %parallel_loop3A_203, %parallel_loop3A_204 : i32
        %parallel_loop3A_206 = arith.constant 16 : i32
        %parallel_loop3A_207 = arith.muli %parallel_loop3A_205, %parallel_loop3A_206 : i32
        %parallel_loop3A_208 = arith.index_cast %parallel_loop3A_207 : i32 to index
        %parallel_loop3A_209 = tpu.vector_load %arg12[%parallel_loop3A_208] {strides = array<i32>} : memref<512xf32, #tpu.memory_space<vmem>>, vector<16xf32>,
        %parallel_loop3A_210 = vector.shape_cast %parallel_loop3A_209 : vector<16xf32> to vector<16xf32>
        %parallel_loop3A_211 = arith.constant 4 : i32
        %parallel_loop3A_212 = vector.broadcast %parallel_loop3A_211 : i32 to vector<16xi32>
        %parallel_loop3A_213 = arith.cmpi eq, %shift_right_arithmetic3A_6, %parallel_loop3A_212 : vector<16xi32>
        %parallel_loop3A_214 = arith.constant 0 : i32
        %parallel_loop3A_215 = vector.broadcast %parallel_loop3A_214 : i32 to vector<16xi32>
        %parallel_loop3A_216 = arith.cmpi slt, %mul3A_11, %parallel_loop3A_215 : vector<16xi32>
        %parallel_loop3A_217 = arith.constant 16 : i32
        %parallel_loop3A_218 = vector.broadcast %parallel_loop3A_217 : i32 to vector<16xi32>
        %parallel_loop3A_219 = arith.addi %mul3A_11, %parallel_loop3A_218 : vector<16xi32>
        %parallel_loop3A_220 = arith.select %parallel_loop3A_216, %parallel_loop3A_219, %mul3A_11 : vector<16xi1>, vector<16xi32>
        %parallel_loop3A_221 = vector.shape_cast %parallel_loop3A_220 : vector<16xi32> to vector<16x1xi32>
        %parallel_loop3A_222 = vector.shape_cast %parallel_loop3A_221 : vector<16x1xi32> to vector<16xi32>
        %parallel_loop3A_223 = tpu.dynamic_gather %parallel_loop3A_210[%parallel_loop3A_222] in [0] : vector<16xf32>, vector<16xi32> -> vector<16xf32>
        %parallel_loop3A_224 = arith.select %parallel_loop3A_213, %parallel_loop3A_223, %parallel_loop3A_201 : vector<16xi1>, vector<16xf32>
        %parallel_loop3A_225 = arith.constant 8 : i32
        %parallel_loop3A_226 = arith.muli %parallel_loop3A_225, %parallel_loop3A_107 : i32
        %parallel_loop3A_227 = arith.constant 5 : i32
        %parallel_loop3A_228 = arith.addi %parallel_loop3A_226, %parallel_loop3A_227 : i32
        %parallel_loop3A_229 = arith.constant 16 : i32
        %parallel_loop3A_230 = arith.muli %parallel_loop3A_228, %parallel_loop3A_229 : i32
        %parallel_loop3A_231 = arith.index_cast %parallel_loop3A_230 : i32 to index
        %parallel_loop3A_232 = tpu.vector_load %arg12[%parallel_loop3A_231] {strides = array<i32>} : memref<512xf32, #tpu.memory_space<vmem>>, vector<16xf32>,
        %parallel_loop3A_233 = vector.shape_cast %parallel_loop3A_232 : vector<16xf32> to vector<16xf32>
        %parallel_loop3A_234 = arith.constant 5 : i32
        %parallel_loop3A_235 = vector.broadcast %parallel_loop3A_234 : i32 to vector<16xi32>
        %parallel_loop3A_236 = arith.cmpi eq, %shift_right_arithmetic3A_6, %parallel_loop3A_235 : vector<16xi32>
        %parallel_loop3A_237 = arith.constant 0 : i32
        %parallel_loop3A_238 = vector.broadcast %parallel_loop3A_237 : i32 to vector<16xi32>
        %parallel_loop3A_239 = arith.cmpi slt, %mul3A_11, %parallel_loop3A_238 : vector<16xi32>
        %parallel_loop3A_240 = arith.constant 16 : i32
        %parallel_loop3A_241 = vector.broadcast %parallel_loop3A_240 : i32 to vector<16xi32>
        %parallel_loop3A_242 = arith.addi %mul3A_11, %parallel_loop3A_241 : vector<16xi32>
        %parallel_loop3A_243 = arith.select %parallel_loop3A_239, %parallel_loop3A_242, %mul3A_11 : vector<16xi1>, vector<16xi32>
        %parallel_loop3A_244 = vector.shape_cast %parallel_loop3A_243 : vector<16xi32> to vector<16x1xi32>
        %parallel_loop3A_245 = vector.shape_cast %parallel_loop3A_244 : vector<16x1xi32> to vector<16xi32>
        %parallel_loop3A_246 = tpu.dynamic_gather %parallel_loop3A_233[%parallel_loop3A_245] in [0] : vector<16xf32>, vector<16xi32> -> vector<16xf32>
        %parallel_loop3A_247 = arith.select %parallel_loop3A_236, %parallel_loop3A_246, %parallel_loop3A_224 : vector<16xi1>, vector<16xf32>
        %parallel_loop3A_248 = arith.constant 8 : i32
        %parallel_loop3A_249 = arith.muli %parallel_loop3A_248, %parallel_loop3A_107 : i32
        %parallel_loop3A_250 = arith.constant 6 : i32
        %parallel_loop3A_251 = arith.addi %parallel_loop3A_249, %parallel_loop3A_250 : i32
        %parallel_loop3A_252 = arith.constant 16 : i32
        %parallel_loop3A_253 = arith.muli %parallel_loop3A_251, %parallel_loop3A_252 : i32
        %parallel_loop3A_254 = arith.index_cast %parallel_loop3A_253 : i32 to index
        %parallel_loop3A_255 = tpu.vector_load %arg12[%parallel_loop3A_254] {strides = array<i32>} : memref<512xf32, #tpu.memory_space<vmem>>, vector<16xf32>,
        %parallel_loop3A_256 = vector.shape_cast %parallel_loop3A_255 : vector<16xf32> to vector<16xf32>
        %parallel_loop3A_257 = arith.constant 6 : i32
        %parallel_loop3A_258 = vector.broadcast %parallel_loop3A_257 : i32 to vector<16xi32>
        %parallel_loop3A_259 = arith.cmpi eq, %shift_right_arithmetic3A_6, %parallel_loop3A_258 : vector<16xi32>
        %parallel_loop3A_260 = arith.constant 0 : i32
        %parallel_loop3A_261 = vector.broadcast %parallel_loop3A_260 : i32 to vector<16xi32>
        %parallel_loop3A_262 = arith.cmpi slt, %mul3A_11, %parallel_loop3A_261 : vector<16xi32>
        %parallel_loop3A_263 = arith.constant 16 : i32
        %parallel_loop3A_264 = vector.broadcast %parallel_loop3A_263 : i32 to vector<16xi32>
        %parallel_loop3A_265 = arith.addi %mul3A_11, %parallel_loop3A_264 : vector<16xi32>
        %parallel_loop3A_266 = arith.select %parallel_loop3A_262, %parallel_loop3A_265, %mul3A_11 : vector<16xi1>, vector<16xi32>
        %parallel_loop3A_267 = vector.shape_cast %parallel_loop3A_266 : vector<16xi32> to vector<16x1xi32>
        %parallel_loop3A_268 = vector.shape_cast %parallel_loop3A_267 : vector<16x1xi32> to vector<16xi32>
        %parallel_loop3A_269 = tpu.dynamic_gather %parallel_loop3A_256[%parallel_loop3A_268] in [0] : vector<16xf32>, vector<16xi32> -> vector<16xf32>
        %parallel_loop3A_270 = arith.select %parallel_loop3A_259, %parallel_loop3A_269, %parallel_loop3A_247 : vector<16xi1>, vector<16xf32>
        %parallel_loop3A_271 = arith.constant 8 : i32
        %parallel_loop3A_272 = arith.muli %parallel_loop3A_271, %parallel_loop3A_107 : i32
        %parallel_loop3A_273 = arith.constant 7 : i32
        %parallel_loop3A_274 = arith.addi %parallel_loop3A_272, %parallel_loop3A_273 : i32
        %parallel_loop3A_275 = arith.constant 16 : i32
        %parallel_loop3A_276 = arith.muli %parallel_loop3A_274, %parallel_loop3A_275 : i32
        %parallel_loop3A_277 = arith.index_cast %parallel_loop3A_276 : i32 to index
        %parallel_loop3A_278 = tpu.vector_load %arg12[%parallel_loop3A_277] {strides = array<i32>} : memref<512xf32, #tpu.memory_space<vmem>>, vector<16xf32>,
        %parallel_loop3A_279 = vector.shape_cast %parallel_loop3A_278 : vector<16xf32> to vector<16xf32>
        %parallel_loop3A_280 = arith.constant 7 : i32
        %parallel_loop3A_281 = vector.broadcast %parallel_loop3A_280 : i32 to vector<16xi32>
        %parallel_loop3A_282 = arith.cmpi eq, %shift_right_arithmetic3A_6, %parallel_loop3A_281 : vector<16xi32>
        %parallel_loop3A_283 = arith.constant 0 : i32
        %parallel_loop3A_284 = vector.broadcast %parallel_loop3A_283 : i32 to vector<16xi32>
        %parallel_loop3A_285 = arith.cmpi slt, %mul3A_11, %parallel_loop3A_284 : vector<16xi32>
        %parallel_loop3A_286 = arith.constant 16 : i32
        %parallel_loop3A_287 = vector.broadcast %parallel_loop3A_286 : i32 to vector<16xi32>
        %parallel_loop3A_288 = arith.addi %mul3A_11, %parallel_loop3A_287 : vector<16xi32>
        %parallel_loop3A_289 = arith.select %parallel_loop3A_285, %parallel_loop3A_288, %mul3A_11 : vector<16xi1>, vector<16xi32>
        %parallel_loop3A_290 = vector.shape_cast %parallel_loop3A_289 : vector<16xi32> to vector<16x1xi32>
        %parallel_loop3A_291 = vector.shape_cast %parallel_loop3A_290 : vector<16x1xi32> to vector<16xi32>
        %parallel_loop3A_292 = tpu.dynamic_gather %parallel_loop3A_279[%parallel_loop3A_291] in [0] : vector<16xf32>, vector<16xi32> -> vector<16xf32>
        %parallel_loop3A_293 = arith.select %parallel_loop3A_282, %parallel_loop3A_292, %parallel_loop3A_270 : vector<16xi1>, vector<16xf32>
        %parallel_loop3A_294 = arith.constant 1.200000e+01 : f32
        %parallel_loop3A_295 = vector.broadcast %parallel_loop3A_294 : f32 to vector<16xf32>
        %parallel_loop3A_296 = arith.subf %parallel_loop3A_295, %parallel_loop3A_293 : vector<16xf32>
        %parallel_loop3A_297 = arith.constant 64 : i32
        %parallel_loop3A_298 = arith.muli %mul3A_44, %parallel_loop3A_297 : i32
        %parallel_loop3A_299 = arith.constant 16 : i32
        %parallel_loop3A_300 = arith.muli %parallel_loop3A_107, %parallel_loop3A_299 : i32
        %parallel_loop3A_301 = arith.addi %parallel_loop3A_298, %parallel_loop3A_300 : i32
        %parallel_loop3A_302 = arith.index_cast %parallel_loop3A_301 : i32 to index
        %parallel_loop3A_303 = tpu.vector_load %arg11[%parallel_loop3A_302] {strides = array<i32>} : memref<512xf32, #tpu.memory_space<vmem>>, vector<16xf32>,
        %parallel_loop3A_304 = vector.shape_cast %parallel_loop3A_303 : vector<16xf32> to vector<16xf32>
        %parallel_loop3A_305 = vector.shape_cast %parallel_loop3A_296 : vector<16xf32> to vector<16xf32>
        tpu.vector_store %arg11[%parallel_loop3A_302], %parallel_loop3A_305 {strides = array<i32>} : memref<512xf32, #tpu.memory_space<vmem>>, vector<16xf32>,
      } {sc.loop_unroll_factor = 1 : i64, sc.parallel_access}
      %lt3A_84 = arith.constant 3 : i32
      %lt3A_85 = arith.cmpi slt, %scan3A_42, %lt3A_84 : i32
      %convert_element_type3A = arith.extui %lt3A_85 : i1 to i32
      %cond3A = arith.constant 0 : i32
      %cond3A_86 = arith.cmpi ne, %convert_element_type3A, %cond3A : i32
      scf.if %cond3A_86 {
        %add3A_107 = arith.constant 2 : i32
        %add3A_108 = arith.addi %mul3A_44, %add3A_107 : i32
        %mul3A_109 = arith.constant 64 : i32
        %mul3A_110 = arith.muli %add3A_108, %mul3A_109 : i32
        %dma_start3A_111 = tpu.memref_slice %arg8[%mul3A_110] : memref<512xi32, #tpu.memory_space<vmem>> -> memref<64xi32, #tpu.memory_space<vmem>>
        %dma_start3A_112 = arith.constant 0 : i32
        %dma_start3A_113 = arith.constant 0 : i32
        %dma_start3A_114 = tpu.memref_slice %arg2[%dma_start3A_112, %dma_start3A_113] : memref<1000000x128xf32, #tpu.memory_space<hbm>> -> memref<1000000x128xf32, #tpu.memory_space<hbm>>
        tpu.enqueue_indirect_dma source(%dma_start3A_114 : memref<1000000x128xf32, #tpu.memory_space<hbm>>) target(%arg13 : memref<64x128xf32, #tpu.memory_space<vmem>>) offsets(%dma_start3A_111 : memref<64xi32, #tpu.memory_space<vmem>>) semaphore(%arg19 : memref<!tpu.dma_semaphore, #tpu.memory_space<semaphore_mem>>)
        %dma_start3A_115 = tpu.memref_slice %arg9[%mul3A_110] : memref<512xi32, #tpu.memory_space<vmem>> -> memref<64xi32, #tpu.memory_space<vmem>>
        %dma_start3A_116 = arith.constant 0 : i32
        %dma_start3A_117 = arith.constant 0 : i32
        %dma_start3A_118 = tpu.memref_slice %arg3[%dma_start3A_116, %dma_start3A_117] : memref<1000x128xf32, #tpu.memory_space<hbm>> -> memref<1000x128xf32, #tpu.memory_space<hbm>>
        tpu.enqueue_indirect_dma source(%dma_start3A_118 : memref<1000x128xf32, #tpu.memory_space<hbm>>) target(%arg14 : memref<64x128xf32, #tpu.memory_space<vmem>>) offsets(%dma_start3A_115 : memref<64xi32, #tpu.memory_space<vmem>>) semaphore(%arg19 : memref<!tpu.dma_semaphore, #tpu.memory_space<semaphore_mem>>)
        %dma_start3A_119 = tpu.memref_slice %arg10[%mul3A_110] : memref<512xi32, #tpu.memory_space<vmem>> -> memref<64xi32, #tpu.memory_space<vmem>>
        %dma_start3A_120 = arith.constant 0 : i32
        %dma_start3A_121 = arith.constant 0 : i32
        %dma_start3A_122 = tpu.memref_slice %arg2[%dma_start3A_120, %dma_start3A_121] : memref<1000000x128xf32, #tpu.memory_space<hbm>> -> memref<1000000x128xf32, #tpu.memory_space<hbm>>
        tpu.enqueue_indirect_dma source(%dma_start3A_122 : memref<1000000x128xf32, #tpu.memory_space<hbm>>) target(%arg15 : memref<64x128xf32, #tpu.memory_space<vmem>>) offsets(%dma_start3A_119 : memref<64xi32, #tpu.memory_space<vmem>>) semaphore(%arg19 : memref<!tpu.dma_semaphore, #tpu.memory_space<semaphore_mem>>)
      } else {
      }
      %dma_wait3A_87 = tpu.memref_slice %arg8[%mul3A_48] : memref<512xi32, #tpu.memory_space<vmem>> -> memref<64xi32, #tpu.memory_space<vmem>>
      %dma_wait3A_88 = arith.constant 0 : i32
      %dma_wait3A_89 = arith.constant 0 : i32
      %dma_wait3A_90 = tpu.memref_slice %arg2[%dma_wait3A_88, %dma_wait3A_89] : memref<1000000x128xf32, #tpu.memory_space<hbm>> -> memref<1000000x128xf32, #tpu.memory_space<hbm>>
      tpu.wait_indirect_dma semaphore(%arg20 : memref<!tpu.dma_semaphore, #tpu.memory_space<semaphore_mem>>) src(%dma_wait3A_90 : memref<1000000x128xf32, #tpu.memory_space<hbm>>) dst(%arg16 : memref<64x128xf32, #tpu.memory_space<vmem>>)
      %dma_wait3A_91 = tpu.memref_slice %arg9[%mul3A_48] : memref<512xi32, #tpu.memory_space<vmem>> -> memref<64xi32, #tpu.memory_space<vmem>>
      %dma_wait3A_92 = arith.constant 0 : i32
      %dma_wait3A_93 = arith.constant 0 : i32
      %dma_wait3A_94 = tpu.memref_slice %arg3[%dma_wait3A_92, %dma_wait3A_93] : memref<1000x128xf32, #tpu.memory_space<hbm>> -> memref<1000x128xf32, #tpu.memory_space<hbm>>
      tpu.wait_indirect_dma semaphore(%arg20 : memref<!tpu.dma_semaphore, #tpu.memory_space<semaphore_mem>>) src(%dma_wait3A_94 : memref<1000x128xf32, #tpu.memory_space<hbm>>) dst(%arg17 : memref<64x128xf32, #tpu.memory_space<vmem>>)
      %dma_wait3A_95 = tpu.memref_slice %arg10[%mul3A_48] : memref<512xi32, #tpu.memory_space<vmem>> -> memref<64xi32, #tpu.memory_space<vmem>>
      %dma_wait3A_96 = arith.constant 0 : i32
      %dma_wait3A_97 = arith.constant 0 : i32
      %dma_wait3A_98 = tpu.memref_slice %arg2[%dma_wait3A_96, %dma_wait3A_97] : memref<1000000x128xf32, #tpu.memory_space<hbm>> -> memref<1000000x128xf32, #tpu.memory_space<hbm>>
      tpu.wait_indirect_dma semaphore(%arg20 : memref<!tpu.dma_semaphore, #tpu.memory_space<semaphore_mem>>) src(%dma_wait3A_98 : memref<1000000x128xf32, #tpu.memory_space<hbm>>) dst(%arg18 : memref<64x128xf32, #tpu.memory_space<vmem>>)
      %add3A_99 = arith.constant 1 : i32
      %add3A_100 = arith.addi %mul3A_44, %add3A_99 : i32
      %parallel_loop3A_101 = arith.constant 0 : i32
      %parallel_loop3A_102 = arith.constant 64 : i32
      %parallel_loop3A_103 = arith.constant 2 : i32
      scf.for %parallel_loop3A_107 = %parallel_loop3A_101 to %parallel_loop3A_102 step %parallel_loop3A_103  : i32 {
        %parallel_loop3A_108 = arith.index_cast %parallel_loop3A_107 : i32 to index
        %parallel_loop3A_109 = arith.constant 0 : index
        %parallel_loop3A_110 = tpu.vector_load %arg16[%parallel_loop3A_108, %parallel_loop3A_109] {strides = array<i32>} : memref<64x128xf32, #tpu.memory_space<vmem>>, vector<1x16xf32>,
        %parallel_loop3A_111 = vector.shape_cast %parallel_loop3A_110 : vector<1x16xf32> to vector<16xf32>
        %parallel_loop3A_112 = arith.index_cast %parallel_loop3A_107 : i32 to index
        %parallel_loop3A_113 = arith.constant 0 : index
        %parallel_loop3A_114 = tpu.vector_load %arg17[%parallel_loop3A_112, %parallel_loop3A_113] {strides = array<i32>} : memref<64x128xf32, #tpu.memory_space<vmem>>, vector<1x16xf32>,
        %parallel_loop3A_115 = vector.shape_cast %parallel_loop3A_114 : vector<1x16xf32> to vector<16xf32>
        %parallel_loop3A_116 = arith.index_cast %parallel_loop3A_107 : i32 to index
        %parallel_loop3A_117 = arith.constant 0 : index
        %parallel_loop3A_118 = tpu.vector_load %arg18[%parallel_loop3A_116, %parallel_loop3A_117] {strides = array<i32>} : memref<64x128xf32, #tpu.memory_space<vmem>>, vector<1x16xf32>,
        %parallel_loop3A_119 = vector.shape_cast %parallel_loop3A_118 : vector<1x16xf32> to vector<16xf32>
        %parallel_loop3A_120 = arith.addf %parallel_loop3A_111, %parallel_loop3A_115 : vector<16xf32>
        %parallel_loop3A_121 = arith.subf %parallel_loop3A_120, %parallel_loop3A_119 : vector<16xf32>
        %parallel_loop3A_122 = math.absf %parallel_loop3A_121 : vector<16xf32>
        %parallel_loop3A_123 = arith.index_cast %parallel_loop3A_107 : i32 to index
        %parallel_loop3A_124 = arith.constant 16 : index
        %parallel_loop3A_125 = tpu.vector_load %arg16[%parallel_loop3A_123, %parallel_loop3A_124] {strides = array<i32>} : memref<64x128xf32, #tpu.memory_space<vmem>>, vector<1x16xf32>,
        %parallel_loop3A_126 = vector.shape_cast %parallel_loop3A_125 : vector<1x16xf32> to vector<16xf32>
        %parallel_loop3A_127 = arith.index_cast %parallel_loop3A_107 : i32 to index
        %parallel_loop3A_128 = arith.constant 16 : index
        %parallel_loop3A_129 = tpu.vector_load %arg17[%parallel_loop3A_127, %parallel_loop3A_128] {strides = array<i32>} : memref<64x128xf32, #tpu.memory_space<vmem>>, vector<1x16xf32>,
        %parallel_loop3A_130 = vector.shape_cast %parallel_loop3A_129 : vector<1x16xf32> to vector<16xf32>
        %parallel_loop3A_131 = arith.index_cast %parallel_loop3A_107 : i32 to index
        %parallel_loop3A_132 = arith.constant 16 : index
        %parallel_loop3A_133 = tpu.vector_load %arg18[%parallel_loop3A_131, %parallel_loop3A_132] {strides = array<i32>} : memref<64x128xf32, #tpu.memory_space<vmem>>, vector<1x16xf32>,
        %parallel_loop3A_134 = vector.shape_cast %parallel_loop3A_133 : vector<1x16xf32> to vector<16xf32>
        %parallel_loop3A_135 = arith.addf %parallel_loop3A_126, %parallel_loop3A_130 : vector<16xf32>
        %parallel_loop3A_136 = arith.subf %parallel_loop3A_135, %parallel_loop3A_134 : vector<16xf32>
        %parallel_loop3A_137 = math.absf %parallel_loop3A_136 : vector<16xf32>
        %parallel_loop3A_138 = arith.addf %parallel_loop3A_122, %parallel_loop3A_137 : vector<16xf32>
        %parallel_loop3A_139 = arith.index_cast %parallel_loop3A_107 : i32 to index
        %parallel_loop3A_140 = arith.constant 32 : index
        %parallel_loop3A_141 = tpu.vector_load %arg16[%parallel_loop3A_139, %parallel_loop3A_140] {strides = array<i32>} : memref<64x128xf32, #tpu.memory_space<vmem>>, vector<1x16xf32>,
        %parallel_loop3A_142 = vector.shape_cast %parallel_loop3A_141 : vector<1x16xf32> to vector<16xf32>
        %parallel_loop3A_143 = arith.index_cast %parallel_loop3A_107 : i32 to index
        %parallel_loop3A_144 = arith.constant 32 : index
        %parallel_loop3A_145 = tpu.vector_load %arg17[%parallel_loop3A_143, %parallel_loop3A_144] {strides = array<i32>} : memref<64x128xf32, #tpu.memory_space<vmem>>, vector<1x16xf32>,
        %parallel_loop3A_146 = vector.shape_cast %parallel_loop3A_145 : vector<1x16xf32> to vector<16xf32>
        %parallel_loop3A_147 = arith.index_cast %parallel_loop3A_107 : i32 to index
        %parallel_loop3A_148 = arith.constant 32 : index
        %parallel_loop3A_149 = tpu.vector_load %arg18[%parallel_loop3A_147, %parallel_loop3A_148] {strides = array<i32>} : memref<64x128xf32, #tpu.memory_space<vmem>>, vector<1x16xf32>,
        %parallel_loop3A_150 = vector.shape_cast %parallel_loop3A_149 : vector<1x16xf32> to vector<16xf32>
        %parallel_loop3A_151 = arith.addf %parallel_loop3A_142, %parallel_loop3A_146 : vector<16xf32>
        %parallel_loop3A_152 = arith.subf %parallel_loop3A_151, %parallel_loop3A_150 : vector<16xf32>
        %parallel_loop3A_153 = math.absf %parallel_loop3A_152 : vector<16xf32>
        %parallel_loop3A_154 = arith.addf %parallel_loop3A_138, %parallel_loop3A_153 : vector<16xf32>
        %parallel_loop3A_155 = arith.index_cast %parallel_loop3A_107 : i32 to index
        %parallel_loop3A_156 = arith.constant 48 : index
        %parallel_loop3A_157 = tpu.vector_load %arg16[%parallel_loop3A_155, %parallel_loop3A_156] {strides = array<i32>} : memref<64x128xf32, #tpu.memory_space<vmem>>, vector<1x16xf32>,
        %parallel_loop3A_158 = vector.shape_cast %parallel_loop3A_157 : vector<1x16xf32> to vector<16xf32>
        %parallel_loop3A_159 = arith.index_cast %parallel_loop3A_107 : i32 to index
        %parallel_loop3A_160 = arith.constant 48 : index
        %parallel_loop3A_161 = tpu.vector_load %arg17[%parallel_loop3A_159, %parallel_loop3A_160] {strides = array<i32>} : memref<64x128xf32, #tpu.memory_space<vmem>>, vector<1x16xf32>,
        %parallel_loop3A_162 = vector.shape_cast %parallel_loop3A_161 : vector<1x16xf32> to vector<16xf32>
        %parallel_loop3A_163 = arith.index_cast %parallel_loop3A_107 : i32 to index
        %parallel_loop3A_164 = arith.constant 48 : index
        %parallel_loop3A_165 = tpu.vector_load %arg18[%parallel_loop3A_163, %parallel_loop3A_164] {strides = array<i32>} : memref<64x128xf32, #tpu.memory_space<vmem>>, vector<1x16xf32>,
        %parallel_loop3A_166 = vector.shape_cast %parallel_loop3A_165 : vector<1x16xf32> to vector<16xf32>
        %parallel_loop3A_167 = arith.addf %parallel_loop3A_158, %parallel_loop3A_162 : vector<16xf32>
        %parallel_loop3A_168 = arith.subf %parallel_loop3A_167, %parallel_loop3A_166 : vector<16xf32>
        %parallel_loop3A_169 = math.absf %parallel_loop3A_168 : vector<16xf32>
        %parallel_loop3A_170 = arith.addf %parallel_loop3A_154, %parallel_loop3A_169 : vector<16xf32>
        %parallel_loop3A_171 = arith.index_cast %parallel_loop3A_107 : i32 to index
        %parallel_loop3A_172 = arith.constant 64 : index
        %parallel_loop3A_173 = tpu.vector_load %arg16[%parallel_loop3A_171, %parallel_loop3A_172] {strides = array<i32>} : memref<64x128xf32, #tpu.memory_space<vmem>>, vector<1x16xf32>,
        %parallel_loop3A_174 = vector.shape_cast %parallel_loop3A_173 : vector<1x16xf32> to vector<16xf32>
        %parallel_loop3A_175 = arith.index_cast %parallel_loop3A_107 : i32 to index
        %parallel_loop3A_176 = arith.constant 64 : index
        %parallel_loop3A_177 = tpu.vector_load %arg17[%parallel_loop3A_175, %parallel_loop3A_176] {strides = array<i32>} : memref<64x128xf32, #tpu.memory_space<vmem>>, vector<1x16xf32>,
        %parallel_loop3A_178 = vector.shape_cast %parallel_loop3A_177 : vector<1x16xf32> to vector<16xf32>
        %parallel_loop3A_179 = arith.index_cast %parallel_loop3A_107 : i32 to index
        %parallel_loop3A_180 = arith.constant 64 : index
        %parallel_loop3A_181 = tpu.vector_load %arg18[%parallel_loop3A_179, %parallel_loop3A_180] {strides = array<i32>} : memref<64x128xf32, #tpu.memory_space<vmem>>, vector<1x16xf32>,
        %parallel_loop3A_182 = vector.shape_cast %parallel_loop3A_181 : vector<1x16xf32> to vector<16xf32>
        %parallel_loop3A_183 = arith.addf %parallel_loop3A_174, %parallel_loop3A_178 : vector<16xf32>
        %parallel_loop3A_184 = arith.subf %parallel_loop3A_183, %parallel_loop3A_182 : vector<16xf32>
        %parallel_loop3A_185 = math.absf %parallel_loop3A_184 : vector<16xf32>
        %parallel_loop3A_186 = arith.addf %parallel_loop3A_170, %parallel_loop3A_185 : vector<16xf32>
        %parallel_loop3A_187 = arith.index_cast %parallel_loop3A_107 : i32 to index
        %parallel_loop3A_188 = arith.constant 80 : index
        %parallel_loop3A_189 = tpu.vector_load %arg16[%parallel_loop3A_187, %parallel_loop3A_188] {strides = array<i32>} : memref<64x128xf32, #tpu.memory_space<vmem>>, vector<1x16xf32>,
        %parallel_loop3A_190 = vector.shape_cast %parallel_loop3A_189 : vector<1x16xf32> to vector<16xf32>
        %parallel_loop3A_191 = arith.index_cast %parallel_loop3A_107 : i32 to index
        %parallel_loop3A_192 = arith.constant 80 : index
        %parallel_loop3A_193 = tpu.vector_load %arg17[%parallel_loop3A_191, %parallel_loop3A_192] {strides = array<i32>} : memref<64x128xf32, #tpu.memory_space<vmem>>, vector<1x16xf32>,
        %parallel_loop3A_194 = vector.shape_cast %parallel_loop3A_193 : vector<1x16xf32> to vector<16xf32>
        %parallel_loop3A_195 = arith.index_cast %parallel_loop3A_107 : i32 to index
        %parallel_loop3A_196 = arith.constant 80 : index
        %parallel_loop3A_197 = tpu.vector_load %arg18[%parallel_loop3A_195, %parallel_loop3A_196] {strides = array<i32>} : memref<64x128xf32, #tpu.memory_space<vmem>>, vector<1x16xf32>,
        %parallel_loop3A_198 = vector.shape_cast %parallel_loop3A_197 : vector<1x16xf32> to vector<16xf32>
        %parallel_loop3A_199 = arith.addf %parallel_loop3A_190, %parallel_loop3A_194 : vector<16xf32>
        %parallel_loop3A_200 = arith.subf %parallel_loop3A_199, %parallel_loop3A_198 : vector<16xf32>
        %parallel_loop3A_201 = math.absf %parallel_loop3A_200 : vector<16xf32>
        %parallel_loop3A_202 = arith.addf %parallel_loop3A_186, %parallel_loop3A_201 : vector<16xf32>
        %parallel_loop3A_203 = arith.index_cast %parallel_loop3A_107 : i32 to index
        %parallel_loop3A_204 = arith.constant 96 : index
        %parallel_loop3A_205 = tpu.vector_load %arg16[%parallel_loop3A_203, %parallel_loop3A_204] {strides = array<i32>} : memref<64x128xf32, #tpu.memory_space<vmem>>, vector<1x16xf32>,
        %parallel_loop3A_206 = vector.shape_cast %parallel_loop3A_205 : vector<1x16xf32> to vector<16xf32>
        %parallel_loop3A_207 = arith.index_cast %parallel_loop3A_107 : i32 to index
        %parallel_loop3A_208 = arith.constant 96 : index
        %parallel_loop3A_209 = tpu.vector_load %arg17[%parallel_loop3A_207, %parallel_loop3A_208] {strides = array<i32>} : memref<64x128xf32, #tpu.memory_space<vmem>>, vector<1x16xf32>,
        %parallel_loop3A_210 = vector.shape_cast %parallel_loop3A_209 : vector<1x16xf32> to vector<16xf32>
        %parallel_loop3A_211 = arith.index_cast %parallel_loop3A_107 : i32 to index
        %parallel_loop3A_212 = arith.constant 96 : index
        %parallel_loop3A_213 = tpu.vector_load %arg18[%parallel_loop3A_211, %parallel_loop3A_212] {strides = array<i32>} : memref<64x128xf32, #tpu.memory_space<vmem>>, vector<1x16xf32>,
        %parallel_loop3A_214 = vector.shape_cast %parallel_loop3A_213 : vector<1x16xf32> to vector<16xf32>
        %parallel_loop3A_215 = arith.addf %parallel_loop3A_206, %parallel_loop3A_210 : vector<16xf32>
        %parallel_loop3A_216 = arith.subf %parallel_loop3A_215, %parallel_loop3A_214 : vector<16xf32>
        %parallel_loop3A_217 = math.absf %parallel_loop3A_216 : vector<16xf32>
        %parallel_loop3A_218 = arith.addf %parallel_loop3A_202, %parallel_loop3A_217 : vector<16xf32>
        %parallel_loop3A_219 = arith.index_cast %parallel_loop3A_107 : i32 to index
        %parallel_loop3A_220 = arith.constant 112 : index
        %parallel_loop3A_221 = tpu.vector_load %arg16[%parallel_loop3A_219, %parallel_loop3A_220] {strides = array<i32>} : memref<64x128xf32, #tpu.memory_space<vmem>>, vector<1x16xf32>,
        %parallel_loop3A_222 = vector.shape_cast %parallel_loop3A_221 : vector<1x16xf32> to vector<16xf32>
        %parallel_loop3A_223 = arith.index_cast %parallel_loop3A_107 : i32 to index
        %parallel_loop3A_224 = arith.constant 112 : index
        %parallel_loop3A_225 = tpu.vector_load %arg17[%parallel_loop3A_223, %parallel_loop3A_224] {strides = array<i32>} : memref<64x128xf32, #tpu.memory_space<vmem>>, vector<1x16xf32>,
        %parallel_loop3A_226 = vector.shape_cast %parallel_loop3A_225 : vector<1x16xf32> to vector<16xf32>
        %parallel_loop3A_227 = arith.index_cast %parallel_loop3A_107 : i32 to index
        %parallel_loop3A_228 = arith.constant 112 : index
        %parallel_loop3A_229 = tpu.vector_load %arg18[%parallel_loop3A_227, %parallel_loop3A_228] {strides = array<i32>} : memref<64x128xf32, #tpu.memory_space<vmem>>, vector<1x16xf32>,
        %parallel_loop3A_230 = vector.shape_cast %parallel_loop3A_229 : vector<1x16xf32> to vector<16xf32>
        %parallel_loop3A_231 = arith.addf %parallel_loop3A_222, %parallel_loop3A_226 : vector<16xf32>
        %parallel_loop3A_232 = arith.subf %parallel_loop3A_231, %parallel_loop3A_230 : vector<16xf32>
        %parallel_loop3A_233 = math.absf %parallel_loop3A_232 : vector<16xf32>
        %parallel_loop3A_234 = arith.addf %parallel_loop3A_218, %parallel_loop3A_233 : vector<16xf32>
        %parallel_loop3A_235 = arith.constant 1 : i32
        %parallel_loop3A_236 = arith.addi %parallel_loop3A_107, %parallel_loop3A_235 : i32
        %parallel_loop3A_237 = arith.index_cast %parallel_loop3A_236 : i32 to index
        %parallel_loop3A_238 = arith.constant 0 : index
        %parallel_loop3A_239 = tpu.vector_load %arg16[%parallel_loop3A_237, %parallel_loop3A_238] {strides = array<i32>} : memref<64x128xf32, #tpu.memory_space<vmem>>, vector<1x16xf32>,
        %parallel_loop3A_240 = vector.shape_cast %parallel_loop3A_239 : vector<1x16xf32> to vector<16xf32>
        %parallel_loop3A_241 = arith.index_cast %parallel_loop3A_236 : i32 to index
        %parallel_loop3A_242 = arith.constant 0 : index
        %parallel_loop3A_243 = tpu.vector_load %arg17[%parallel_loop3A_241, %parallel_loop3A_242] {strides = array<i32>} : memref<64x128xf32, #tpu.memory_space<vmem>>, vector<1x16xf32>,
        %parallel_loop3A_244 = vector.shape_cast %parallel_loop3A_243 : vector<1x16xf32> to vector<16xf32>
        %parallel_loop3A_245 = arith.index_cast %parallel_loop3A_236 : i32 to index
        %parallel_loop3A_246 = arith.constant 0 : index
        %parallel_loop3A_247 = tpu.vector_load %arg18[%parallel_loop3A_245, %parallel_loop3A_246] {strides = array<i32>} : memref<64x128xf32, #tpu.memory_space<vmem>>, vector<1x16xf32>,
        %parallel_loop3A_248 = vector.shape_cast %parallel_loop3A_247 : vector<1x16xf32> to vector<16xf32>
        %parallel_loop3A_249 = arith.addf %parallel_loop3A_240, %parallel_loop3A_244 : vector<16xf32>
        %parallel_loop3A_250 = arith.subf %parallel_loop3A_249, %parallel_loop3A_248 : vector<16xf32>
        %parallel_loop3A_251 = math.absf %parallel_loop3A_250 : vector<16xf32>
        %parallel_loop3A_252 = arith.index_cast %parallel_loop3A_236 : i32 to index
        %parallel_loop3A_253 = arith.constant 16 : index
        %parallel_loop3A_254 = tpu.vector_load %arg16[%parallel_loop3A_252, %parallel_loop3A_253] {strides = array<i32>} : memref<64x128xf32, #tpu.memory_space<vmem>>, vector<1x16xf32>,
        %parallel_loop3A_255 = vector.shape_cast %parallel_loop3A_254 : vector<1x16xf32> to vector<16xf32>
        %parallel_loop3A_256 = arith.index_cast %parallel_loop3A_236 : i32 to index
        %parallel_loop3A_257 = arith.constant 16 : index
        %parallel_loop3A_258 = tpu.vector_load %arg17[%parallel_loop3A_256, %parallel_loop3A_257] {strides = array<i32>} : memref<64x128xf32, #tpu.memory_space<vmem>>, vector<1x16xf32>,
        %parallel_loop3A_259 = vector.shape_cast %parallel_loop3A_258 : vector<1x16xf32> to vector<16xf32>
        %parallel_loop3A_260 = arith.index_cast %parallel_loop3A_236 : i32 to index
        %parallel_loop3A_261 = arith.constant 16 : index
        %parallel_loop3A_262 = tpu.vector_load %arg18[%parallel_loop3A_260, %parallel_loop3A_261] {strides = array<i32>} : memref<64x128xf32, #tpu.memory_space<vmem>>, vector<1x16xf32>,
        %parallel_loop3A_263 = vector.shape_cast %parallel_loop3A_262 : vector<1x16xf32> to vector<16xf32>
        %parallel_loop3A_264 = arith.addf %parallel_loop3A_255, %parallel_loop3A_259 : vector<16xf32>
        %parallel_loop3A_265 = arith.subf %parallel_loop3A_264, %parallel_loop3A_263 : vector<16xf32>
        %parallel_loop3A_266 = math.absf %parallel_loop3A_265 : vector<16xf32>
        %parallel_loop3A_267 = arith.addf %parallel_loop3A_251, %parallel_loop3A_266 : vector<16xf32>
        %parallel_loop3A_268 = arith.index_cast %parallel_loop3A_236 : i32 to index
        %parallel_loop3A_269 = arith.constant 32 : index
        %parallel_loop3A_270 = tpu.vector_load %arg16[%parallel_loop3A_268, %parallel_loop3A_269] {strides = array<i32>} : memref<64x128xf32, #tpu.memory_space<vmem>>, vector<1x16xf32>,
        %parallel_loop3A_271 = vector.shape_cast %parallel_loop3A_270 : vector<1x16xf32> to vector<16xf32>
        %parallel_loop3A_272 = arith.index_cast %parallel_loop3A_236 : i32 to index
        %parallel_loop3A_273 = arith.constant 32 : index
        %parallel_loop3A_274 = tpu.vector_load %arg17[%parallel_loop3A_272, %parallel_loop3A_273] {strides = array<i32>} : memref<64x128xf32, #tpu.memory_space<vmem>>, vector<1x16xf32>,
        %parallel_loop3A_275 = vector.shape_cast %parallel_loop3A_274 : vector<1x16xf32> to vector<16xf32>
        %parallel_loop3A_276 = arith.index_cast %parallel_loop3A_236 : i32 to index
        %parallel_loop3A_277 = arith.constant 32 : index
        %parallel_loop3A_278 = tpu.vector_load %arg18[%parallel_loop3A_276, %parallel_loop3A_277] {strides = array<i32>} : memref<64x128xf32, #tpu.memory_space<vmem>>, vector<1x16xf32>,
        %parallel_loop3A_279 = vector.shape_cast %parallel_loop3A_278 : vector<1x16xf32> to vector<16xf32>
        %parallel_loop3A_280 = arith.addf %parallel_loop3A_271, %parallel_loop3A_275 : vector<16xf32>
        %parallel_loop3A_281 = arith.subf %parallel_loop3A_280, %parallel_loop3A_279 : vector<16xf32>
        %parallel_loop3A_282 = math.absf %parallel_loop3A_281 : vector<16xf32>
        %parallel_loop3A_283 = arith.addf %parallel_loop3A_267, %parallel_loop3A_282 : vector<16xf32>
        %parallel_loop3A_284 = arith.index_cast %parallel_loop3A_236 : i32 to index
        %parallel_loop3A_285 = arith.constant 48 : index
        %parallel_loop3A_286 = tpu.vector_load %arg16[%parallel_loop3A_284, %parallel_loop3A_285] {strides = array<i32>} : memref<64x128xf32, #tpu.memory_space<vmem>>, vector<1x16xf32>,
        %parallel_loop3A_287 = vector.shape_cast %parallel_loop3A_286 : vector<1x16xf32> to vector<16xf32>
        %parallel_loop3A_288 = arith.index_cast %parallel_loop3A_236 : i32 to index
        %parallel_loop3A_289 = arith.constant 48 : index
        %parallel_loop3A_290 = tpu.vector_load %arg17[%parallel_loop3A_288, %parallel_loop3A_289] {strides = array<i32>} : memref<64x128xf32, #tpu.memory_space<vmem>>, vector<1x16xf32>,
        %parallel_loop3A_291 = vector.shape_cast %parallel_loop3A_290 : vector<1x16xf32> to vector<16xf32>
        %parallel_loop3A_292 = arith.index_cast %parallel_loop3A_236 : i32 to index
        %parallel_loop3A_293 = arith.constant 48 : index
        %parallel_loop3A_294 = tpu.vector_load %arg18[%parallel_loop3A_292, %parallel_loop3A_293] {strides = array<i32>} : memref<64x128xf32, #tpu.memory_space<vmem>>, vector<1x16xf32>,
        %parallel_loop3A_295 = vector.shape_cast %parallel_loop3A_294 : vector<1x16xf32> to vector<16xf32>
        %parallel_loop3A_296 = arith.addf %parallel_loop3A_287, %parallel_loop3A_291 : vector<16xf32>
        %parallel_loop3A_297 = arith.subf %parallel_loop3A_296, %parallel_loop3A_295 : vector<16xf32>
        %parallel_loop3A_298 = math.absf %parallel_loop3A_297 : vector<16xf32>
        %parallel_loop3A_299 = arith.addf %parallel_loop3A_283, %parallel_loop3A_298 : vector<16xf32>
        %parallel_loop3A_300 = arith.index_cast %parallel_loop3A_236 : i32 to index
        %parallel_loop3A_301 = arith.constant 64 : index
        %parallel_loop3A_302 = tpu.vector_load %arg16[%parallel_loop3A_300, %parallel_loop3A_301] {strides = array<i32>} : memref<64x128xf32, #tpu.memory_space<vmem>>, vector<1x16xf32>,
        %parallel_loop3A_303 = vector.shape_cast %parallel_loop3A_302 : vector<1x16xf32> to vector<16xf32>
        %parallel_loop3A_304 = arith.index_cast %parallel_loop3A_236 : i32 to index
        %parallel_loop3A_305 = arith.constant 64 : index
        %parallel_loop3A_306 = tpu.vector_load %arg17[%parallel_loop3A_304, %parallel_loop3A_305] {strides = array<i32>} : memref<64x128xf32, #tpu.memory_space<vmem>>, vector<1x16xf32>,
        %parallel_loop3A_307 = vector.shape_cast %parallel_loop3A_306 : vector<1x16xf32> to vector<16xf32>
        %parallel_loop3A_308 = arith.index_cast %parallel_loop3A_236 : i32 to index
        %parallel_loop3A_309 = arith.constant 64 : index
        %parallel_loop3A_310 = tpu.vector_load %arg18[%parallel_loop3A_308, %parallel_loop3A_309] {strides = array<i32>} : memref<64x128xf32, #tpu.memory_space<vmem>>, vector<1x16xf32>,
        %parallel_loop3A_311 = vector.shape_cast %parallel_loop3A_310 : vector<1x16xf32> to vector<16xf32>
        %parallel_loop3A_312 = arith.addf %parallel_loop3A_303, %parallel_loop3A_307 : vector<16xf32>
        %parallel_loop3A_313 = arith.subf %parallel_loop3A_312, %parallel_loop3A_311 : vector<16xf32>
        %parallel_loop3A_314 = math.absf %parallel_loop3A_313 : vector<16xf32>
        %parallel_loop3A_315 = arith.addf %parallel_loop3A_299, %parallel_loop3A_314 : vector<16xf32>
        %parallel_loop3A_316 = arith.index_cast %parallel_loop3A_236 : i32 to index
        %parallel_loop3A_317 = arith.constant 80 : index
        %parallel_loop3A_318 = tpu.vector_load %arg16[%parallel_loop3A_316, %parallel_loop3A_317] {strides = array<i32>} : memref<64x128xf32, #tpu.memory_space<vmem>>, vector<1x16xf32>,
        %parallel_loop3A_319 = vector.shape_cast %parallel_loop3A_318 : vector<1x16xf32> to vector<16xf32>
        %parallel_loop3A_320 = arith.index_cast %parallel_loop3A_236 : i32 to index
        %parallel_loop3A_321 = arith.constant 80 : index
        %parallel_loop3A_322 = tpu.vector_load %arg17[%parallel_loop3A_320, %parallel_loop3A_321] {strides = array<i32>} : memref<64x128xf32, #tpu.memory_space<vmem>>, vector<1x16xf32>,
        %parallel_loop3A_323 = vector.shape_cast %parallel_loop3A_322 : vector<1x16xf32> to vector<16xf32>
        %parallel_loop3A_324 = arith.index_cast %parallel_loop3A_236 : i32 to index
        %parallel_loop3A_325 = arith.constant 80 : index
        %parallel_loop3A_326 = tpu.vector_load %arg18[%parallel_loop3A_324, %parallel_loop3A_325] {strides = array<i32>} : memref<64x128xf32, #tpu.memory_space<vmem>>, vector<1x16xf32>,
        %parallel_loop3A_327 = vector.shape_cast %parallel_loop3A_326 : vector<1x16xf32> to vector<16xf32>
        %parallel_loop3A_328 = arith.addf %parallel_loop3A_319, %parallel_loop3A_323 : vector<16xf32>
        %parallel_loop3A_329 = arith.subf %parallel_loop3A_328, %parallel_loop3A_327 : vector<16xf32>
        %parallel_loop3A_330 = math.absf %parallel_loop3A_329 : vector<16xf32>
        %parallel_loop3A_331 = arith.addf %parallel_loop3A_315, %parallel_loop3A_330 : vector<16xf32>
        %parallel_loop3A_332 = arith.index_cast %parallel_loop3A_236 : i32 to index
        %parallel_loop3A_333 = arith.constant 96 : index
        %parallel_loop3A_334 = tpu.vector_load %arg16[%parallel_loop3A_332, %parallel_loop3A_333] {strides = array<i32>} : memref<64x128xf32, #tpu.memory_space<vmem>>, vector<1x16xf32>,
        %parallel_loop3A_335 = vector.shape_cast %parallel_loop3A_334 : vector<1x16xf32> to vector<16xf32>
        %parallel_loop3A_336 = arith.index_cast %parallel_loop3A_236 : i32 to index
        %parallel_loop3A_337 = arith.constant 96 : index
        %parallel_loop3A_338 = tpu.vector_load %arg17[%parallel_loop3A_336, %parallel_loop3A_337] {strides = array<i32>} : memref<64x128xf32, #tpu.memory_space<vmem>>, vector<1x16xf32>,
        %parallel_loop3A_339 = vector.shape_cast %parallel_loop3A_338 : vector<1x16xf32> to vector<16xf32>
        %parallel_loop3A_340 = arith.index_cast %parallel_loop3A_236 : i32 to index
        %parallel_loop3A_341 = arith.constant 96 : index
        %parallel_loop3A_342 = tpu.vector_load %arg18[%parallel_loop3A_340, %parallel_loop3A_341] {strides = array<i32>} : memref<64x128xf32, #tpu.memory_space<vmem>>, vector<1x16xf32>,
        %parallel_loop3A_343 = vector.shape_cast %parallel_loop3A_342 : vector<1x16xf32> to vector<16xf32>
        %parallel_loop3A_344 = arith.addf %parallel_loop3A_335, %parallel_loop3A_339 : vector<16xf32>
        %parallel_loop3A_345 = arith.subf %parallel_loop3A_344, %parallel_loop3A_343 : vector<16xf32>
        %parallel_loop3A_346 = math.absf %parallel_loop3A_345 : vector<16xf32>
        %parallel_loop3A_347 = arith.addf %parallel_loop3A_331, %parallel_loop3A_346 : vector<16xf32>
        %parallel_loop3A_348 = arith.index_cast %parallel_loop3A_236 : i32 to index
        %parallel_loop3A_349 = arith.constant 112 : index
        %parallel_loop3A_350 = tpu.vector_load %arg16[%parallel_loop3A_348, %parallel_loop3A_349] {strides = array<i32>} : memref<64x128xf32, #tpu.memory_space<vmem>>, vector<1x16xf32>,
        %parallel_loop3A_351 = vector.shape_cast %parallel_loop3A_350 : vector<1x16xf32> to vector<16xf32>
        %parallel_loop3A_352 = arith.index_cast %parallel_loop3A_236 : i32 to index
        %parallel_loop3A_353 = arith.constant 112 : index
        %parallel_loop3A_354 = tpu.vector_load %arg17[%parallel_loop3A_352, %parallel_loop3A_353] {strides = array<i32>} : memref<64x128xf32, #tpu.memory_space<vmem>>, vector<1x16xf32>,
        %parallel_loop3A_355 = vector.shape_cast %parallel_loop3A_354 : vector<1x16xf32> to vector<16xf32>
        %parallel_loop3A_356 = arith.index_cast %parallel_loop3A_236 : i32 to index
        %parallel_loop3A_357 = arith.constant 112 : index
        %parallel_loop3A_358 = tpu.vector_load %arg18[%parallel_loop3A_356, %parallel_loop3A_357] {strides = array<i32>} : memref<64x128xf32, #tpu.memory_space<vmem>>, vector<1x16xf32>,
        %parallel_loop3A_359 = vector.shape_cast %parallel_loop3A_358 : vector<1x16xf32> to vector<16xf32>
        %parallel_loop3A_360 = arith.addf %parallel_loop3A_351, %parallel_loop3A_355 : vector<16xf32>
        %parallel_loop3A_361 = arith.subf %parallel_loop3A_360, %parallel_loop3A_359 : vector<16xf32>
        %parallel_loop3A_362 = math.absf %parallel_loop3A_361 : vector<16xf32>
        %parallel_loop3A_363 = arith.addf %parallel_loop3A_347, %parallel_loop3A_362 : vector<16xf32>
        %parallel_loop3A_364 = arith.constant 8 : i32
        %parallel_loop3A_365 = vector.broadcast %parallel_loop3A_364 : i32 to vector<16xi32>
        %parallel_loop3A_366 = arith.xori %iota3A, %parallel_loop3A_365 : vector<16xi32>
        %parallel_loop3A_367 = arith.constant 0 : i32
        %parallel_loop3A_368 = vector.broadcast %parallel_loop3A_367 : i32 to vector<16xi32>
        %parallel_loop3A_369 = arith.cmpi slt, %parallel_loop3A_366, %parallel_loop3A_368 : vector<16xi32>
        %parallel_loop3A_370 = arith.constant 16 : i32
        %parallel_loop3A_371 = vector.broadcast %parallel_loop3A_370 : i32 to vector<16xi32>
        %parallel_loop3A_372 = arith.addi %parallel_loop3A_366, %parallel_loop3A_371 : vector<16xi32>
        %parallel_loop3A_373 = arith.select %parallel_loop3A_369, %parallel_loop3A_372, %parallel_loop3A_366 : vector<16xi1>, vector<16xi32>
        %parallel_loop3A_374 = vector.shape_cast %parallel_loop3A_373 : vector<16xi32> to vector<16x1xi32>
        %parallel_loop3A_375 = vector.shape_cast %parallel_loop3A_374 : vector<16x1xi32> to vector<16xi32>
        %parallel_loop3A_376 = tpu.dynamic_gather %parallel_loop3A_234[%parallel_loop3A_375] in [0] : vector<16xf32>, vector<16xi32> -> vector<16xf32>
        %parallel_loop3A_377 = arith.addf %parallel_loop3A_234, %parallel_loop3A_376 : vector<16xf32>
        %parallel_loop3A_378 = arith.constant 8 : i32
        %parallel_loop3A_379 = vector.broadcast %parallel_loop3A_378 : i32 to vector<16xi32>
        %parallel_loop3A_380 = arith.xori %iota3A, %parallel_loop3A_379 : vector<16xi32>
        %parallel_loop3A_381 = arith.constant 0 : i32
        %parallel_loop3A_382 = vector.broadcast %parallel_loop3A_381 : i32 to vector<16xi32>
        %parallel_loop3A_383 = arith.cmpi slt, %parallel_loop3A_380, %parallel_loop3A_382 : vector<16xi32>
        %parallel_loop3A_384 = arith.constant 16 : i32
        %parallel_loop3A_385 = vector.broadcast %parallel_loop3A_384 : i32 to vector<16xi32>
        %parallel_loop3A_386 = arith.addi %parallel_loop3A_380, %parallel_loop3A_385 : vector<16xi32>
        %parallel_loop3A_387 = arith.select %parallel_loop3A_383, %parallel_loop3A_386, %parallel_loop3A_380 : vector<16xi1>, vector<16xi32>
        %parallel_loop3A_388 = vector.shape_cast %parallel_loop3A_387 : vector<16xi32> to vector<16x1xi32>
        %parallel_loop3A_389 = vector.shape_cast %parallel_loop3A_388 : vector<16x1xi32> to vector<16xi32>
        %parallel_loop3A_390 = tpu.dynamic_gather %parallel_loop3A_363[%parallel_loop3A_389] in [0] : vector<16xf32>, vector<16xi32> -> vector<16xf32>
        %parallel_loop3A_391 = arith.addf %parallel_loop3A_363, %parallel_loop3A_390 : vector<16xf32>
        %parallel_loop3A_392 = arith.select %lt3A_4, %parallel_loop3A_377, %parallel_loop3A_391 : vector<16xi1>, vector<16xf32>
        %parallel_loop3A_393 = arith.constant 4 : i32
        %parallel_loop3A_394 = vector.broadcast %parallel_loop3A_393 : i32 to vector<16xi32>
        %parallel_loop3A_395 = arith.xori %iota3A, %parallel_loop3A_394 : vector<16xi32>
        %parallel_loop3A_396 = arith.constant 0 : i32
        %parallel_loop3A_397 = vector.broadcast %parallel_loop3A_396 : i32 to vector<16xi32>
        %parallel_loop3A_398 = arith.cmpi slt, %parallel_loop3A_395, %parallel_loop3A_397 : vector<16xi32>
        %parallel_loop3A_399 = arith.constant 16 : i32
        %parallel_loop3A_400 = vector.broadcast %parallel_loop3A_399 : i32 to vector<16xi32>
        %parallel_loop3A_401 = arith.addi %parallel_loop3A_395, %parallel_loop3A_400 : vector<16xi32>
        %parallel_loop3A_402 = arith.select %parallel_loop3A_398, %parallel_loop3A_401, %parallel_loop3A_395 : vector<16xi1>, vector<16xi32>
        %parallel_loop3A_403 = vector.shape_cast %parallel_loop3A_402 : vector<16xi32> to vector<16x1xi32>
        %parallel_loop3A_404 = vector.shape_cast %parallel_loop3A_403 : vector<16x1xi32> to vector<16xi32>
        %parallel_loop3A_405 = tpu.dynamic_gather %parallel_loop3A_392[%parallel_loop3A_404] in [0] : vector<16xf32>, vector<16xi32> -> vector<16xf32>
        %parallel_loop3A_406 = arith.addf %parallel_loop3A_392, %parallel_loop3A_405 : vector<16xf32>
        %parallel_loop3A_407 = arith.constant 2 : i32
        %parallel_loop3A_408 = vector.broadcast %parallel_loop3A_407 : i32 to vector<16xi32>
        %parallel_loop3A_409 = arith.xori %iota3A, %parallel_loop3A_408 : vector<16xi32>
        %parallel_loop3A_410 = arith.constant 0 : i32
        %parallel_loop3A_411 = vector.broadcast %parallel_loop3A_410 : i32 to vector<16xi32>
        %parallel_loop3A_412 = arith.cmpi slt, %parallel_loop3A_409, %parallel_loop3A_411 : vector<16xi32>
        %parallel_loop3A_413 = arith.constant 16 : i32
        %parallel_loop3A_414 = vector.broadcast %parallel_loop3A_413 : i32 to vector<16xi32>
        %parallel_loop3A_415 = arith.addi %parallel_loop3A_409, %parallel_loop3A_414 : vector<16xi32>
        %parallel_loop3A_416 = arith.select %parallel_loop3A_412, %parallel_loop3A_415, %parallel_loop3A_409 : vector<16xi1>, vector<16xi32>
        %parallel_loop3A_417 = vector.shape_cast %parallel_loop3A_416 : vector<16xi32> to vector<16x1xi32>
        %parallel_loop3A_418 = vector.shape_cast %parallel_loop3A_417 : vector<16x1xi32> to vector<16xi32>
        %parallel_loop3A_419 = tpu.dynamic_gather %parallel_loop3A_406[%parallel_loop3A_418] in [0] : vector<16xf32>, vector<16xi32> -> vector<16xf32>
        %parallel_loop3A_420 = arith.addf %parallel_loop3A_406, %parallel_loop3A_419 : vector<16xf32>
        %parallel_loop3A_421 = arith.constant 1 : i32
        %parallel_loop3A_422 = vector.broadcast %parallel_loop3A_421 : i32 to vector<16xi32>
        %parallel_loop3A_423 = arith.xori %iota3A, %parallel_loop3A_422 : vector<16xi32>
        %parallel_loop3A_424 = arith.constant 0 : i32
        %parallel_loop3A_425 = vector.broadcast %parallel_loop3A_424 : i32 to vector<16xi32>
        %parallel_loop3A_426 = arith.cmpi slt, %parallel_loop3A_423, %parallel_loop3A_425 : vector<16xi32>
        %parallel_loop3A_427 = arith.constant 16 : i32
        %parallel_loop3A_428 = vector.broadcast %parallel_loop3A_427 : i32 to vector<16xi32>
        %parallel_loop3A_429 = arith.addi %parallel_loop3A_423, %parallel_loop3A_428 : vector<16xi32>
        %parallel_loop3A_430 = arith.select %parallel_loop3A_426, %parallel_loop3A_429, %parallel_loop3A_423 : vector<16xi1>, vector<16xi32>
        %parallel_loop3A_431 = vector.shape_cast %parallel_loop3A_430 : vector<16xi32> to vector<16x1xi32>
        %parallel_loop3A_432 = vector.shape_cast %parallel_loop3A_431 : vector<16x1xi32> to vector<16xi32>
        %parallel_loop3A_433 = tpu.dynamic_gather %parallel_loop3A_420[%parallel_loop3A_432] in [0] : vector<16xf32>, vector<16xi32> -> vector<16xf32>
        %parallel_loop3A_434 = arith.addf %parallel_loop3A_420, %parallel_loop3A_433 : vector<16xf32>
        %parallel_loop3A_435 = arith.constant 8 : i32
        %parallel_loop3A_436 = arith.muli %parallel_loop3A_107, %parallel_loop3A_435 : i32
        %parallel_loop3A_437 = arith.index_cast %parallel_loop3A_436 : i32 to index
        %parallel_loop3A_438 = tpu.vector_load %arg12[%parallel_loop3A_437] {strides = array<i32>} : memref<512xf32, #tpu.memory_space<vmem>>, vector<16xf32>,
        %parallel_loop3A_439 = vector.shape_cast %parallel_loop3A_438 : vector<16xf32> to vector<16xf32>
        %parallel_loop3A_440 = vector.shape_cast %parallel_loop3A_434 : vector<16xf32> to vector<16xf32>
        tpu.vector_store %arg12[%parallel_loop3A_437], %parallel_loop3A_440 {strides = array<i32>} : memref<512xf32, #tpu.memory_space<vmem>>, vector<16xf32>,
      } {sc.loop_unroll_factor = 1 : i64, sc.parallel_access}
      %parallel_loop3A_104 = arith.constant 0 : i32
      %parallel_loop3A_105 = arith.constant 4 : i32
      %parallel_loop3A_106 = arith.constant 1 : i32
      scf.for %parallel_loop3A_107 = %parallel_loop3A_104 to %parallel_loop3A_105 step %parallel_loop3A_106  : i32 {
        %parallel_loop3A_108 = arith.constant 0.000000e+00 : f32
        %parallel_loop3A_109 = vector.broadcast %parallel_loop3A_108 : f32 to vector<16xf32>
        %parallel_loop3A_110 = arith.constant 8 : i32
        %parallel_loop3A_111 = arith.muli %parallel_loop3A_110, %parallel_loop3A_107 : i32
        %parallel_loop3A_112 = arith.constant 0 : i32
        %parallel_loop3A_113 = arith.addi %parallel_loop3A_111, %parallel_loop3A_112 : i32
        %parallel_loop3A_114 = arith.constant 16 : i32
        %parallel_loop3A_115 = arith.muli %parallel_loop3A_113, %parallel_loop3A_114 : i32
        %parallel_loop3A_116 = arith.index_cast %parallel_loop3A_115 : i32 to index
        %parallel_loop3A_117 = tpu.vector_load %arg12[%parallel_loop3A_116] {strides = array<i32>} : memref<512xf32, #tpu.memory_space<vmem>>, vector<16xf32>,
        %parallel_loop3A_118 = vector.shape_cast %parallel_loop3A_117 : vector<16xf32> to vector<16xf32>
        %parallel_loop3A_119 = arith.constant 0 : i32
        %parallel_loop3A_120 = vector.broadcast %parallel_loop3A_119 : i32 to vector<16xi32>
        %parallel_loop3A_121 = arith.cmpi eq, %shift_right_arithmetic3A_6, %parallel_loop3A_120 : vector<16xi32>
        %parallel_loop3A_122 = arith.constant 0 : i32
        %parallel_loop3A_123 = vector.broadcast %parallel_loop3A_122 : i32 to vector<16xi32>
        %parallel_loop3A_124 = arith.cmpi slt, %mul3A_11, %parallel_loop3A_123 : vector<16xi32>
        %parallel_loop3A_125 = arith.constant 16 : i32
        %parallel_loop3A_126 = vector.broadcast %parallel_loop3A_125 : i32 to vector<16xi32>
        %parallel_loop3A_127 = arith.addi %mul3A_11, %parallel_loop3A_126 : vector<16xi32>
        %parallel_loop3A_128 = arith.select %parallel_loop3A_124, %parallel_loop3A_127, %mul3A_11 : vector<16xi1>, vector<16xi32>
        %parallel_loop3A_129 = vector.shape_cast %parallel_loop3A_128 : vector<16xi32> to vector<16x1xi32>
        %parallel_loop3A_130 = vector.shape_cast %parallel_loop3A_129 : vector<16x1xi32> to vector<16xi32>
        %parallel_loop3A_131 = tpu.dynamic_gather %parallel_loop3A_118[%parallel_loop3A_130] in [0] : vector<16xf32>, vector<16xi32> -> vector<16xf32>
        %parallel_loop3A_132 = arith.select %parallel_loop3A_121, %parallel_loop3A_131, %parallel_loop3A_109 : vector<16xi1>, vector<16xf32>
        %parallel_loop3A_133 = arith.constant 8 : i32
        %parallel_loop3A_134 = arith.muli %parallel_loop3A_133, %parallel_loop3A_107 : i32
        %parallel_loop3A_135 = arith.constant 1 : i32
        %parallel_loop3A_136 = arith.addi %parallel_loop3A_134, %parallel_loop3A_135 : i32
        %parallel_loop3A_137 = arith.constant 16 : i32
        %parallel_loop3A_138 = arith.muli %parallel_loop3A_136, %parallel_loop3A_137 : i32
        %parallel_loop3A_139 = arith.index_cast %parallel_loop3A_138 : i32 to index
        %parallel_loop3A_140 = tpu.vector_load %arg12[%parallel_loop3A_139] {strides = array<i32>} : memref<512xf32, #tpu.memory_space<vmem>>, vector<16xf32>,
        %parallel_loop3A_141 = vector.shape_cast %parallel_loop3A_140 : vector<16xf32> to vector<16xf32>
        %parallel_loop3A_142 = arith.constant 1 : i32
        %parallel_loop3A_143 = vector.broadcast %parallel_loop3A_142 : i32 to vector<16xi32>
        %parallel_loop3A_144 = arith.cmpi eq, %shift_right_arithmetic3A_6, %parallel_loop3A_143 : vector<16xi32>
        %parallel_loop3A_145 = arith.constant 0 : i32
        %parallel_loop3A_146 = vector.broadcast %parallel_loop3A_145 : i32 to vector<16xi32>
        %parallel_loop3A_147 = arith.cmpi slt, %mul3A_11, %parallel_loop3A_146 : vector<16xi32>
        %parallel_loop3A_148 = arith.constant 16 : i32
        %parallel_loop3A_149 = vector.broadcast %parallel_loop3A_148 : i32 to vector<16xi32>
        %parallel_loop3A_150 = arith.addi %mul3A_11, %parallel_loop3A_149 : vector<16xi32>
        %parallel_loop3A_151 = arith.select %parallel_loop3A_147, %parallel_loop3A_150, %mul3A_11 : vector<16xi1>, vector<16xi32>
        %parallel_loop3A_152 = vector.shape_cast %parallel_loop3A_151 : vector<16xi32> to vector<16x1xi32>
        %parallel_loop3A_153 = vector.shape_cast %parallel_loop3A_152 : vector<16x1xi32> to vector<16xi32>
        %parallel_loop3A_154 = tpu.dynamic_gather %parallel_loop3A_141[%parallel_loop3A_153] in [0] : vector<16xf32>, vector<16xi32> -> vector<16xf32>
        %parallel_loop3A_155 = arith.select %parallel_loop3A_144, %parallel_loop3A_154, %parallel_loop3A_132 : vector<16xi1>, vector<16xf32>
        %parallel_loop3A_156 = arith.constant 8 : i32
        %parallel_loop3A_157 = arith.muli %parallel_loop3A_156, %parallel_loop3A_107 : i32
        %parallel_loop3A_158 = arith.constant 2 : i32
        %parallel_loop3A_159 = arith.addi %parallel_loop3A_157, %parallel_loop3A_158 : i32
        %parallel_loop3A_160 = arith.constant 16 : i32
        %parallel_loop3A_161 = arith.muli %parallel_loop3A_159, %parallel_loop3A_160 : i32
        %parallel_loop3A_162 = arith.index_cast %parallel_loop3A_161 : i32 to index
        %parallel_loop3A_163 = tpu.vector_load %arg12[%parallel_loop3A_162] {strides = array<i32>} : memref<512xf32, #tpu.memory_space<vmem>>, vector<16xf32>,
        %parallel_loop3A_164 = vector.shape_cast %parallel_loop3A_163 : vector<16xf32> to vector<16xf32>
        %parallel_loop3A_165 = arith.constant 2 : i32
        %parallel_loop3A_166 = vector.broadcast %parallel_loop3A_165 : i32 to vector<16xi32>
        %parallel_loop3A_167 = arith.cmpi eq, %shift_right_arithmetic3A_6, %parallel_loop3A_166 : vector<16xi32>
        %parallel_loop3A_168 = arith.constant 0 : i32
        %parallel_loop3A_169 = vector.broadcast %parallel_loop3A_168 : i32 to vector<16xi32>
        %parallel_loop3A_170 = arith.cmpi slt, %mul3A_11, %parallel_loop3A_169 : vector<16xi32>
        %parallel_loop3A_171 = arith.constant 16 : i32
        %parallel_loop3A_172 = vector.broadcast %parallel_loop3A_171 : i32 to vector<16xi32>
        %parallel_loop3A_173 = arith.addi %mul3A_11, %parallel_loop3A_172 : vector<16xi32>
        %parallel_loop3A_174 = arith.select %parallel_loop3A_170, %parallel_loop3A_173, %mul3A_11 : vector<16xi1>, vector<16xi32>
        %parallel_loop3A_175 = vector.shape_cast %parallel_loop3A_174 : vector<16xi32> to vector<16x1xi32>
        %parallel_loop3A_176 = vector.shape_cast %parallel_loop3A_175 : vector<16x1xi32> to vector<16xi32>
        %parallel_loop3A_177 = tpu.dynamic_gather %parallel_loop3A_164[%parallel_loop3A_176] in [0] : vector<16xf32>, vector<16xi32> -> vector<16xf32>
        %parallel_loop3A_178 = arith.select %parallel_loop3A_167, %parallel_loop3A_177, %parallel_loop3A_155 : vector<16xi1>, vector<16xf32>
        %parallel_loop3A_179 = arith.constant 8 : i32
        %parallel_loop3A_180 = arith.muli %parallel_loop3A_179, %parallel_loop3A_107 : i32
        %parallel_loop3A_181 = arith.constant 3 : i32
        %parallel_loop3A_182 = arith.addi %parallel_loop3A_180, %parallel_loop3A_181 : i32
        %parallel_loop3A_183 = arith.constant 16 : i32
        %parallel_loop3A_184 = arith.muli %parallel_loop3A_182, %parallel_loop3A_183 : i32
        %parallel_loop3A_185 = arith.index_cast %parallel_loop3A_184 : i32 to index
        %parallel_loop3A_186 = tpu.vector_load %arg12[%parallel_loop3A_185] {strides = array<i32>} : memref<512xf32, #tpu.memory_space<vmem>>, vector<16xf32>,
        %parallel_loop3A_187 = vector.shape_cast %parallel_loop3A_186 : vector<16xf32> to vector<16xf32>
        %parallel_loop3A_188 = arith.constant 3 : i32
        %parallel_loop3A_189 = vector.broadcast %parallel_loop3A_188 : i32 to vector<16xi32>
        %parallel_loop3A_190 = arith.cmpi eq, %shift_right_arithmetic3A_6, %parallel_loop3A_189 : vector<16xi32>
        %parallel_loop3A_191 = arith.constant 0 : i32
        %parallel_loop3A_192 = vector.broadcast %parallel_loop3A_191 : i32 to vector<16xi32>
        %parallel_loop3A_193 = arith.cmpi slt, %mul3A_11, %parallel_loop3A_192 : vector<16xi32>
        %parallel_loop3A_194 = arith.constant 16 : i32
        %parallel_loop3A_195 = vector.broadcast %parallel_loop3A_194 : i32 to vector<16xi32>
        %parallel_loop3A_196 = arith.addi %mul3A_11, %parallel_loop3A_195 : vector<16xi32>
        %parallel_loop3A_197 = arith.select %parallel_loop3A_193, %parallel_loop3A_196, %mul3A_11 : vector<16xi1>, vector<16xi32>
        %parallel_loop3A_198 = vector.shape_cast %parallel_loop3A_197 : vector<16xi32> to vector<16x1xi32>
        %parallel_loop3A_199 = vector.shape_cast %parallel_loop3A_198 : vector<16x1xi32> to vector<16xi32>
        %parallel_loop3A_200 = tpu.dynamic_gather %parallel_loop3A_187[%parallel_loop3A_199] in [0] : vector<16xf32>, vector<16xi32> -> vector<16xf32>
        %parallel_loop3A_201 = arith.select %parallel_loop3A_190, %parallel_loop3A_200, %parallel_loop3A_178 : vector<16xi1>, vector<16xf32>
        %parallel_loop3A_202 = arith.constant 8 : i32
        %parallel_loop3A_203 = arith.muli %parallel_loop3A_202, %parallel_loop3A_107 : i32
        %parallel_loop3A_204 = arith.constant 4 : i32
        %parallel_loop3A_205 = arith.addi %parallel_loop3A_203, %parallel_loop3A_204 : i32
        %parallel_loop3A_206 = arith.constant 16 : i32
        %parallel_loop3A_207 = arith.muli %parallel_loop3A_205, %parallel_loop3A_206 : i32
        %parallel_loop3A_208 = arith.index_cast %parallel_loop3A_207 : i32 to index
        %parallel_loop3A_209 = tpu.vector_load %arg12[%parallel_loop3A_208] {strides = array<i32>} : memref<512xf32, #tpu.memory_space<vmem>>, vector<16xf32>,
        %parallel_loop3A_210 = vector.shape_cast %parallel_loop3A_209 : vector<16xf32> to vector<16xf32>
        %parallel_loop3A_211 = arith.constant 4 : i32
        %parallel_loop3A_212 = vector.broadcast %parallel_loop3A_211 : i32 to vector<16xi32>
        %parallel_loop3A_213 = arith.cmpi eq, %shift_right_arithmetic3A_6, %parallel_loop3A_212 : vector<16xi32>
        %parallel_loop3A_214 = arith.constant 0 : i32
        %parallel_loop3A_215 = vector.broadcast %parallel_loop3A_214 : i32 to vector<16xi32>
        %parallel_loop3A_216 = arith.cmpi slt, %mul3A_11, %parallel_loop3A_215 : vector<16xi32>
        %parallel_loop3A_217 = arith.constant 16 : i32
        %parallel_loop3A_218 = vector.broadcast %parallel_loop3A_217 : i32 to vector<16xi32>
        %parallel_loop3A_219 = arith.addi %mul3A_11, %parallel_loop3A_218 : vector<16xi32>
        %parallel_loop3A_220 = arith.select %parallel_loop3A_216, %parallel_loop3A_219, %mul3A_11 : vector<16xi1>, vector<16xi32>
        %parallel_loop3A_221 = vector.shape_cast %parallel_loop3A_220 : vector<16xi32> to vector<16x1xi32>
        %parallel_loop3A_222 = vector.shape_cast %parallel_loop3A_221 : vector<16x1xi32> to vector<16xi32>
        %parallel_loop3A_223 = tpu.dynamic_gather %parallel_loop3A_210[%parallel_loop3A_222] in [0] : vector<16xf32>, vector<16xi32> -> vector<16xf32>
        %parallel_loop3A_224 = arith.select %parallel_loop3A_213, %parallel_loop3A_223, %parallel_loop3A_201 : vector<16xi1>, vector<16xf32>
        %parallel_loop3A_225 = arith.constant 8 : i32
        %parallel_loop3A_226 = arith.muli %parallel_loop3A_225, %parallel_loop3A_107 : i32
        %parallel_loop3A_227 = arith.constant 5 : i32
        %parallel_loop3A_228 = arith.addi %parallel_loop3A_226, %parallel_loop3A_227 : i32
        %parallel_loop3A_229 = arith.constant 16 : i32
        %parallel_loop3A_230 = arith.muli %parallel_loop3A_228, %parallel_loop3A_229 : i32
        %parallel_loop3A_231 = arith.index_cast %parallel_loop3A_230 : i32 to index
        %parallel_loop3A_232 = tpu.vector_load %arg12[%parallel_loop3A_231] {strides = array<i32>} : memref<512xf32, #tpu.memory_space<vmem>>, vector<16xf32>,
        %parallel_loop3A_233 = vector.shape_cast %parallel_loop3A_232 : vector<16xf32> to vector<16xf32>
        %parallel_loop3A_234 = arith.constant 5 : i32
        %parallel_loop3A_235 = vector.broadcast %parallel_loop3A_234 : i32 to vector<16xi32>
        %parallel_loop3A_236 = arith.cmpi eq, %shift_right_arithmetic3A_6, %parallel_loop3A_235 : vector<16xi32>
        %parallel_loop3A_237 = arith.constant 0 : i32
        %parallel_loop3A_238 = vector.broadcast %parallel_loop3A_237 : i32 to vector<16xi32>
        %parallel_loop3A_239 = arith.cmpi slt, %mul3A_11, %parallel_loop3A_238 : vector<16xi32>
        %parallel_loop3A_240 = arith.constant 16 : i32
        %parallel_loop3A_241 = vector.broadcast %parallel_loop3A_240 : i32 to vector<16xi32>
        %parallel_loop3A_242 = arith.addi %mul3A_11, %parallel_loop3A_241 : vector<16xi32>
        %parallel_loop3A_243 = arith.select %parallel_loop3A_239, %parallel_loop3A_242, %mul3A_11 : vector<16xi1>, vector<16xi32>
        %parallel_loop3A_244 = vector.shape_cast %parallel_loop3A_243 : vector<16xi32> to vector<16x1xi32>
        %parallel_loop3A_245 = vector.shape_cast %parallel_loop3A_244 : vector<16x1xi32> to vector<16xi32>
        %parallel_loop3A_246 = tpu.dynamic_gather %parallel_loop3A_233[%parallel_loop3A_245] in [0] : vector<16xf32>, vector<16xi32> -> vector<16xf32>
        %parallel_loop3A_247 = arith.select %parallel_loop3A_236, %parallel_loop3A_246, %parallel_loop3A_224 : vector<16xi1>, vector<16xf32>
        %parallel_loop3A_248 = arith.constant 8 : i32
        %parallel_loop3A_249 = arith.muli %parallel_loop3A_248, %parallel_loop3A_107 : i32
        %parallel_loop3A_250 = arith.constant 6 : i32
        %parallel_loop3A_251 = arith.addi %parallel_loop3A_249, %parallel_loop3A_250 : i32
        %parallel_loop3A_252 = arith.constant 16 : i32
        %parallel_loop3A_253 = arith.muli %parallel_loop3A_251, %parallel_loop3A_252 : i32
        %parallel_loop3A_254 = arith.index_cast %parallel_loop3A_253 : i32 to index
        %parallel_loop3A_255 = tpu.vector_load %arg12[%parallel_loop3A_254] {strides = array<i32>} : memref<512xf32, #tpu.memory_space<vmem>>, vector<16xf32>,
        %parallel_loop3A_256 = vector.shape_cast %parallel_loop3A_255 : vector<16xf32> to vector<16xf32>
        %parallel_loop3A_257 = arith.constant 6 : i32
        %parallel_loop3A_258 = vector.broadcast %parallel_loop3A_257 : i32 to vector<16xi32>
        %parallel_loop3A_259 = arith.cmpi eq, %shift_right_arithmetic3A_6, %parallel_loop3A_258 : vector<16xi32>
        %parallel_loop3A_260 = arith.constant 0 : i32
        %parallel_loop3A_261 = vector.broadcast %parallel_loop3A_260 : i32 to vector<16xi32>
        %parallel_loop3A_262 = arith.cmpi slt, %mul3A_11, %parallel_loop3A_261 : vector<16xi32>
        %parallel_loop3A_263 = arith.constant 16 : i32
        %parallel_loop3A_264 = vector.broadcast %parallel_loop3A_263 : i32 to vector<16xi32>
        %parallel_loop3A_265 = arith.addi %mul3A_11, %parallel_loop3A_264 : vector<16xi32>
        %parallel_loop3A_266 = arith.select %parallel_loop3A_262, %parallel_loop3A_265, %mul3A_11 : vector<16xi1>, vector<16xi32>
        %parallel_loop3A_267 = vector.shape_cast %parallel_loop3A_266 : vector<16xi32> to vector<16x1xi32>
        %parallel_loop3A_268 = vector.shape_cast %parallel_loop3A_267 : vector<16x1xi32> to vector<16xi32>
        %parallel_loop3A_269 = tpu.dynamic_gather %parallel_loop3A_256[%parallel_loop3A_268] in [0] : vector<16xf32>, vector<16xi32> -> vector<16xf32>
        %parallel_loop3A_270 = arith.select %parallel_loop3A_259, %parallel_loop3A_269, %parallel_loop3A_247 : vector<16xi1>, vector<16xf32>
        %parallel_loop3A_271 = arith.constant 8 : i32
        %parallel_loop3A_272 = arith.muli %parallel_loop3A_271, %parallel_loop3A_107 : i32
        %parallel_loop3A_273 = arith.constant 7 : i32
        %parallel_loop3A_274 = arith.addi %parallel_loop3A_272, %parallel_loop3A_273 : i32
        %parallel_loop3A_275 = arith.constant 16 : i32
        %parallel_loop3A_276 = arith.muli %parallel_loop3A_274, %parallel_loop3A_275 : i32
        %parallel_loop3A_277 = arith.index_cast %parallel_loop3A_276 : i32 to index
        %parallel_loop3A_278 = tpu.vector_load %arg12[%parallel_loop3A_277] {strides = array<i32>} : memref<512xf32, #tpu.memory_space<vmem>>, vector<16xf32>,
        %parallel_loop3A_279 = vector.shape_cast %parallel_loop3A_278 : vector<16xf32> to vector<16xf32>
        %parallel_loop3A_280 = arith.constant 7 : i32
        %parallel_loop3A_281 = vector.broadcast %parallel_loop3A_280 : i32 to vector<16xi32>
        %parallel_loop3A_282 = arith.cmpi eq, %shift_right_arithmetic3A_6, %parallel_loop3A_281 : vector<16xi32>
        %parallel_loop3A_283 = arith.constant 0 : i32
        %parallel_loop3A_284 = vector.broadcast %parallel_loop3A_283 : i32 to vector<16xi32>
        %parallel_loop3A_285 = arith.cmpi slt, %mul3A_11, %parallel_loop3A_284 : vector<16xi32>
        %parallel_loop3A_286 = arith.constant 16 : i32
        %parallel_loop3A_287 = vector.broadcast %parallel_loop3A_286 : i32 to vector<16xi32>
        %parallel_loop3A_288 = arith.addi %mul3A_11, %parallel_loop3A_287 : vector<16xi32>
        %parallel_loop3A_289 = arith.select %parallel_loop3A_285, %parallel_loop3A_288, %mul3A_11 : vector<16xi1>, vector<16xi32>
        %parallel_loop3A_290 = vector.shape_cast %parallel_loop3A_289 : vector<16xi32> to vector<16x1xi32>
        %parallel_loop3A_291 = vector.shape_cast %parallel_loop3A_290 : vector<16x1xi32> to vector<16xi32>
        %parallel_loop3A_292 = tpu.dynamic_gather %parallel_loop3A_279[%parallel_loop3A_291] in [0] : vector<16xf32>, vector<16xi32> -> vector<16xf32>
        %parallel_loop3A_293 = arith.select %parallel_loop3A_282, %parallel_loop3A_292, %parallel_loop3A_270 : vector<16xi1>, vector<16xf32>
        %parallel_loop3A_294 = arith.constant 1.200000e+01 : f32
        %parallel_loop3A_295 = vector.broadcast %parallel_loop3A_294 : f32 to vector<16xf32>
        %parallel_loop3A_296 = arith.subf %parallel_loop3A_295, %parallel_loop3A_293 : vector<16xf32>
        %parallel_loop3A_297 = arith.constant 64 : i32
        %parallel_loop3A_298 = arith.muli %add3A_100, %parallel_loop3A_297 : i32
        %parallel_loop3A_299 = arith.constant 16 : i32
        %parallel_loop3A_300 = arith.muli %parallel_loop3A_107, %parallel_loop3A_299 : i32
        %parallel_loop3A_301 = arith.addi %parallel_loop3A_298, %parallel_loop3A_300 : i32
        %parallel_loop3A_302 = arith.index_cast %parallel_loop3A_301 : i32 to index
        %parallel_loop3A_303 = tpu.vector_load %arg11[%parallel_loop3A_302] {strides = array<i32>} : memref<512xf32, #tpu.memory_space<vmem>>, vector<16xf32>,
        %parallel_loop3A_304 = vector.shape_cast %parallel_loop3A_303 : vector<16xf32> to vector<16xf32>
        %parallel_loop3A_305 = vector.shape_cast %parallel_loop3A_296 : vector<16xf32> to vector<16xf32>
        tpu.vector_store %arg11[%parallel_loop3A_302], %parallel_loop3A_305 {strides = array<i32>} : memref<512xf32, #tpu.memory_space<vmem>>, vector<16xf32>,
      } {sc.loop_unroll_factor = 1 : i64, sc.parallel_access}
    }
    %scan3A_41 = arith.constant 4 : i32
    "tpu.region"() ({
      %run_scoped3A = tpu.sem_alloc : memref<!tpu.dma_semaphore, #tpu.memory_space<semaphore_mem>>
      %dma_start3A_42 = tpu.memref_slice %arg7[%mul3A_2] : memref<16384xf32, #tpu.memory_space<hbm>> -> memref<512xf32, #tpu.memory_space<hbm>>
      %dma_start3A_43 = tpu.memref_slice %arg7[%mul3A_2] : memref<16384xf32, #tpu.memory_space<hbm>> -> memref<512xf32, #tpu.memory_space<hbm>>
      tpu.enqueue_dma source(%arg11 : memref<512xf32, #tpu.memory_space<vmem>>) target(%dma_start3A_43 : memref<512xf32, #tpu.memory_space<hbm>>) target_semaphore(%run_scoped3A : memref<!tpu.dma_semaphore, #tpu.memory_space<semaphore_mem>>)
      %dma_wait3A_44 = tpu.memref_slice %arg7[%mul3A_2] : memref<16384xf32, #tpu.memory_space<hbm>> -> memref<512xf32, #tpu.memory_space<hbm>>
      %dma_wait3A_45 = tpu.memref_slice %arg7[%mul3A_2] : memref<16384xf32, #tpu.memory_space<hbm>> -> memref<512xf32, #tpu.memory_space<hbm>>
      tpu.wait_dma2 semaphore(%run_scoped3A : memref<!tpu.dma_semaphore, #tpu.memory_space<semaphore_mem>>) src(%arg11 : memref<512xf32, #tpu.memory_space<vmem>>) dst(%dma_wait3A_45 : memref<512xf32, #tpu.memory_space<hbm>>)
      tpu.yield
    }) : () -> ()
    return
  }
}

</mosaic_0001>

<sc_bundles>
// kernel: kernel.3.cloned.1.call-start
scs
__scs_entry_jumppad:
0x0: {  	(pc) =	sbr.rel $0x88, $3  }
0x1: {  	(tag) =	ssettag $0x0;
	lr =	simm.s32 $0x1  }
0x2: {  	[smem:$0x3F9C] =	sst lr;
	_ =	strace $0xD0000000  }
0x3: {  	_ = 	snop  }
0x4: {  	_ = 	snop  }
0x5: {  	_ = 	snop  }
0x6: {  	_ = 	snop  }
0x7: {  	_ = 	snop  }
__scs_overlays_trampoline_lowered:
0x8: {  	[smem:$0x3FAB] =	sst s0  }
0x9: {  	[smem:$0x3FAC] =	sst s1  }
0xa: {  	[smem:$0x3FAD] =	sst s2  }
0xb: {  	[smem:$0x3FAE] =	sst s3  }
0xc: {  	[smem:$0x3FAF] =	sst s4  }
0xd: {  	[smem:$0x3FB0] =	sst s5  }
0xe: {  	[smem:$0x3FB1] =	sst s6  }
0xf: {  	[smem:$0x3FB2] =	sst s7  }
0x10: {  	[smem:$0x3FB3] =	sst s8  }
0x11: {  	[smem:$0x3FB4] =	sst s9;
	s0 =	simm.s32 @!p0 $0x0  }
0x12: {  	s1 =	sld [smem:$0x3F9A];
	s0 =	simm.s32 @p0 $0x1  }
0x13: {  	[smem:$0x3FB5] =	sst s0;
	s0 =	simm.s32 @!p1 $0x0  }
0x14: {  	s2 =	sld [smem:$0x3F99];
	s0 =	simm.s32 @p1 $0x1  }
0x15: {  	[smem:$0x3FB6] =	sst s0;
	s0 =	simm.s32 @!p2 $0x0  }
0x16: {  	s3 =	sld [smem:$0x3FDB];
	s0 =	simm.s32 @p2 $0x1  }
0x17: {  	s4 =	simm.s32 $0x1BF5;
	[smem:$0x3FB8] =	sst s0  }
0x18: {  	s0 =	sld [smem:$0x3F9B];
	_ =	swait.ge [sflag:s4], $0x0  }
0x19: {  	s7 =	sld [smem:$0x3F9C]  }
0x1a: {  	s8 =	sadd.s32 $0xFFFFE003, lr  }
0x1b: {  	s9 =	sadd.s32 $0xFFFFFEF7, lr;
	s5 =	simm.s32 $0xFFFFFFFF;
	p2 =	slt.u32 s8, $0xFFFFF086  }
0x1c: {  	p1 =	slt.u32 s9, $0xF7A;
	s5 =	simm.s32 @!p2 $0x0  }
0x1d: {  	s5 =	simm.s32 @p1 $0x1;
	p0 =	seq.s32 s7, s2  }
0x1e: {  	s7 =	smul.u32 @!p0 $0xF7A, s2;
	p2 =	seq.s32 @!p0 s5, $0x0  }
0x1f: {  	s9 =	smul.u32 $0xF7A, s1;
	s8 =	simm.s32 @!p0 $0x1BF5;
	p2 =	por !p2, p0  }
0x20: {  	[sflag:s8] =	ssyncset.s32 @!p0 $0xFFFFF086;
	s6 =	sadd.s32 @!p0 s3, s7;
	s7 =	simm.s32 @!p0 $0x108  }
0x21: {  	s3 =	sadd.s32 s3, s9;
	s6 =	sadd.s32 @!p0 $0x88, s6;
	s7 =	simm.s32 @p2 $0x1082  }
0x22: {  	[simem:s7], [sflag:s8] =	dma.local @!p0 [hbm:s6], $0xF7A  }
0x23: {  	s9 =	sor.u32 $0xD0000000, s2;
	s6 =	simm.s32 $0x108;
	_ =	swait.ge @!p0 [sflag:s8], $0x0  }
0x24: {  	s3 =	sadd.s32 $0x88, s3;
	s6 =	simm.s32 @!p1 $0x1082;
	[sflag:s4] =	ssyncset.s32 $0xFFFFF086  }
0x25: {  	[simem:s6], [sflag:s4] =	dma.local [hbm:s3], $0xF7A  }
0x26: {  	[smem:$0x3F9C] =	sst s1;
	(tag) =	ssettag s2;
	_ =	strace s9  }
0x27: {  	s1 =	sld [smem:$0x3FAC]  }
0x28: {  	s2 =	sld [smem:$0x3FAD]  }
0x29: {  	s4 =	sld [smem:$0x3FAF]  }
0x2a: {  	p0 =	seq.s32 s5, $0x0;
	s5 =	sld [smem:$0x3FB0]  }
0x2b: {  	s6 =	sld [smem:$0x3FB1]  }
0x2c: {  	s7 =	sld [smem:$0x3FB2]  }
0x2d: {  	s3 =	simm.s32 $0x108;
	s8 =	sld [smem:$0x3FB3]  }
0x2e: {  	s3 =	simm.s32 @!p0 $0x1082;
	s9 =	sld [smem:$0x3FB4]  }
0x2f: {  	lr =	sadd.s32 s0, s3;
	s0 =	sld [smem:$0x3FAB]  }
0x30: {  	s3 =	sld [smem:$0x3FAE]  }
0x31: {  	[smem:$0x3FB7] =	sst s10  }
0x32: {  	s10 =	sld [smem:$0x3FB5];
	_ =	sdelay $0x3  }
0x33: {  	p0 =	seq.s32 s10, $0x1;
	s10 =	sld [smem:$0x3FB7];
	_ =	sdelay $0x3  }
0x34: {  	[smem:$0x3FB7] =	sst s10  }
0x35: {  	s10 =	sld [smem:$0x3FB6];
	_ =	sdelay $0x3  }
0x36: {  	p1 =	seq.s32 s10, $0x1;
	s10 =	sld [smem:$0x3FB7];
	_ =	sdelay $0x3  }
0x37: {  	[smem:$0x3FB7] =	sst s10  }
0x38: {  	s10 =	sld [smem:$0x3FB8]  }
0x39: {  	_ = 	snop;
	(pc) =	sbr.ind lr, $3  }
0x3a: {  	_ = 	snop  }
0x3b: {  	_ = 	snop  }
0x3c: {  	p2 =	seq.s32 s10, $0x1;
	s10 =	sld [smem:$0x3FB7]  }
0x3d: {  	_ =	shalt  }
0x3e: {  	_ =	shalt  }
0x3f: {  	_ =	shalt  }
0x40: {  	_ =	shalt  }
0x41: {  	_ =	shalt  }
0x42: {  	_ =	shalt  }
0x43: {  	_ =	shalt  }
0x44: {  	_ =	shalt  }
0x45: {  	_ =	shalt  }
0x46: {  	_ =	shalt  }
0x47: {  	_ =	shalt  }
0x48: {  	_ =	shalt  }
0x49: {  	_ =	shalt  }
0x4a: {  	_ =	shalt  }
0x4b: {  	_ =	shalt  }
0x4c: {  	_ =	shalt  }
0x4d: {  	_ =	shalt  }
0x4e: {  	_ =	shalt  }
0x4f: {  	_ =	shalt  }
0x50: {  	_ =	shalt  }
0x51: {  	_ =	shalt  }
0x52: {  	_ =	shalt  }
0x53: {  	_ =	shalt  }
0x54: {  	_ =	shalt  }
0x55: {  	_ =	shalt  }
0x56: {  	_ =	shalt  }
0x57: {  	_ =	shalt  }
0x58: {  	_ =	shalt  }
0x59: {  	_ =	shalt  }
0x5a: {  	_ =	shalt  }
0x5b: {  	_ =	shalt  }
0x5c: {  	_ =	shalt  }
0x5d: {  	_ =	shalt  }
0x5e: {  	_ =	shalt  }
0x5f: {  	_ =	shalt  }
0x60: {  	_ =	shalt  }
0x61: {  	_ =	shalt  }
0x62: {  	_ =	shalt  }
0x63: {  	_ =	shalt  }
0x64: {  	_ =	shalt  }
0x65: {  	_ =	shalt  }
0x66: {  	_ =	shalt  }
0x67: {  	_ =	shalt  }
0x68: {  	_ =	shalt  }
0x69: {  	_ =	shalt  }
0x6a: {  	_ =	shalt  }
0x6b: {  	_ =	shalt  }
0x6c: {  	_ =	shalt  }
0x6d: {  	_ =	shalt  }
0x6e: {  	_ =	shalt  }
0x6f: {  	_ =	shalt  }
0x70: {  	_ =	shalt  }
0x71: {  	_ =	shalt  }
0x72: {  	_ =	shalt  }
0x73: {  	_ =	shalt  }
0x74: {  	_ =	shalt  }
0x75: {  	_ =	shalt  }
0x76: {  	_ =	shalt  }
0x77: {  	_ =	shalt  }
0x78: {  	_ =	shalt  }
0x79: {  	_ =	shalt  }
0x7a: {  	_ =	shalt  }
0x7b: {  	_ =	shalt  }
0x7c: {  	_ =	shalt  }
0x7d: {  	_ =	shalt  }
0x7e: {  	_ =	shalt  }
0x7f: {  	_ =	shalt  }
0x80: {  	_ =	shalt  }
0x81: {  	_ =	shalt  }
0x82: {  	_ =	shalt  }
0x83: {  	_ =	shalt  }
0x84: {  	_ =	shalt  }
0x85: {  	_ =	shalt  }
0x86: {  	_ =	shalt  }
0x87: {  	_ =	shalt  }
.Lfunc_end0:
.L_simem_size_0:
called_computation_lowered:
.L_overlay_start_0:
0x88: {  	s2 =	sld [smem:$0x3FD9]  }
0x89: {  	s3 =	sld [smem:$0x3FFE];
	_ =	sdelay $0x1  }
0x8a: {  	s1 =	srdreg.scid  }
0x8b: {  	s0 =	sand.u32 $0x1, s1  }
0x8c: {  	s18 =	sshll.u32 s0, $0xA;
	s2 =	sadd.s32 s3, s2  }
0x8d: {  	s2 =	sadd.s32 s2, s18  }
0x8e: {  	[smem:$0x3FC3] =	sst s2  }
0x8f: {  	_ = 	snop  }
0x90: {  	s2 =	sld [smem:$0x3FC9]  }
0x91: {  	s19 =	sld [smem:$0x3FC8]  }
0x92: {  	s4 =	sld [smem:$0x3FC7]  }
0x93: {  	s5 =	sld [smem:$0x3FC6]  }
0x94: {  	s6 =	sld [smem:$0x3FC5]  }
0x95: {  	s7 =	sld [smem:$0x3FD0];
	(tm) =	ssettm $0x1  }
0x96: {  	s8 =	sld [smem:$0x3FFB];
	_ =	sdelay $0x3  }
0x97: {  	_ =	strace s8  }
0x98: {  	s8 =	sld [smem:$0x3FFC];
	_ =	sdelay $0x3  }
0x99: {  	_ =	strace s8  }
0x9a: {  	s8 =	sld [smem:$0x3FFD];
	_ =	sdelay $0x3  }
0x9b: {  	_ =	strace s8  }
0x9c: {  	_ =	strace $0x8FFFFFFF  }
0x9d: {  	s20 =	sld [smem:$0x3FDB];
	_ =	sdelay $0x1  }
0x9e: {  	s9 =	simm.s32 $_scs_section_size  }
0x9f: {  	s10 =	simm.s32 $_size__tile_overlayer_lowered;
	s11 =	simm.s32 $_tile_overlayer_lowered  }
0xa0: {  	s23 =	simm.s32 $0x1BFF;
	s22 =	sshll.u32 s11, $0x1;
	s8 =	sadd.s32 s9, s20  }
0xa1: {  	s12 =	simm.s32 $0x0;
	s21 =	sshll.u32 s10, $0x1;
	s10 =	sadd.s32 s22, s8  }
0xa2: {  	[timem:s12], [sflag:s23] =	dma.local [hbm:s10], s21  }
0xa3: {  	_ =	swait.ge [sflag:s23], s21  }
0xa4: {  	s9 =	ssub.s32 $0x0, s21;
	[sflag:s23] =	ssyncset.done $0x0  }
0xa5: {  	[sflag:s23] =	ssyncadd.s32 s9;
	_ =	sdelay $0x1  }
0xa6: {  	s24 =	simm.s32 $0x1B8B  }
0xa7: {  	_ =	swait.ge [sflag:s24], $0x1  }
0xa8: {  	[sflag:s24] =	ssyncset.done $0x0  }
0xa9: {  	s25 =	simm.s32 $0x1B8E;
	[sflag:s24] =	ssyncadd.s32 $0xFFFFFFFF  }
0xaa: {  	s26 =	simm.s32 $execute0_lowered;
	[smem:$0x3FD2] =	sst s25  }
0xab: {  	s9 =	sshll.u32 s26, $0x1;
	_ =	strace $0x80000046;
	[dreg:$0x1] =	wrdreg $0xFFFFFFFF  }
0xac: {  	s28 =	simm.s32 $_size_execute0_lowered;
	s8 =	sadd.s32 s8, s9;
	[dreg:$0x0] =	wrdreg $0x0  }
0xad: {  	s9 =	sshll.u32 s28, $0x1;
	[dreg:$0x2] =	wrdreg s8  }
0xae: {  	[dreg:$0x3] =	wrdreg s9  }
0xaf: {  	[dreg:$0x4] =	wrdreg $0xC0  }
0xb0: {  	_ =	task [dreg:s12], $0x5FFFF  }
0xb1: {  	[dreg:$0x1] =	wrdreg $0xFFFFFFFF  }
0xb2: {  	[dreg:$0x0] =	wrdreg $0x60  }
0xb3: {  	[dreg:$0x2] =	wrdreg s2  }
0xb4: {  	[dreg:$0x3] =	wrdreg s19  }
0xb5: {  	[dreg:$0x4] =	wrdreg s4  }
0xb6: {  	[dreg:$0x5] =	wrdreg s5  }
0xb7: {  	[dreg:$0x6] =	wrdreg s6  }
0xb8: {  	[dreg:$0x7] =	wrdreg s7  }
0xb9: {  	[dreg:$0x8] =	wrdreg $0x9  }
0xba: {  	_ =	task.clear_ibuf [dreg:s12], $0x9FFFF;
	_ =	strace $0x90000046  }
0xbb: {  	s29 =	simm.s32 $0x9;
	_ =	strace $0x80000048  }
0xbc: {  	_ =	swait.ge [sflag:s29], $0x1  }
0xbd: {  	[sflag:s29] =	ssyncadd.s32 $0xFFFFFFFF  }
0xbe: {  	_ =	strace $0x90000048  }
0xbf: {  	_ =	sfence  }
0xc0: {  	s30 =	sld [smem:$0x0];
	_ =	sdelay $0x2  }
0xc1: {  	s31 =	sshll.u32 s1, $0xD;
	s1 =	sshrl.u32 s1, $0x2  }
0xc2: {  	s3 =	sand.u32 $0x4000, s31;
	s1 =	sadd.s32 s1, s30  }
0xc3: {  	s0 =	sor.u32 s3, s0;
	s1 =	sshll.u32 s1, $0x11  }
0xc4: {  	s0 =	sor.u32 s1, s0  }
0xc5: {  	s0 =	sadd.s32 $0x8F2B, s0  }
0xc6: {  	[sflag:s0] =	ssyncadd.remote.s32 $0x1  }
0xc7: {  	_ =	sfence.sel $0xFFFF  }
0xc8: {  	[dreg:$0x0] =	wrdreg $0xFFFFFFFF;
	(pc) =	sbr.abs _section_cstart, $3  }
0xc9: {  	[dreg:$0x1] =	wrdreg $0xFFFFFFFF  }
0xca: {  	_ =	task.clear_ibuf [dreg:s12], $0x2FFFF;
	_ =	strace $0x9FFFFFFF  }
0xcb: {  	(tm) =	ssettm $0x7FFFFFFF  }
tec
execute0_lowered:
.L_overlay_start_1:
0x0: {  	(tag) =	ssettag $0x1  }
0x1: {  	s0 =	rddreg [dreg:$0x0]  }
0x2: {  	s1 =	rddreg [dreg:$0x1]  }
0x3: {  	v0 =	vimm.s32 $0xFEDCBA98;
	s2 =	rddreg [dreg:$0x2]  }
0x4: {  	v1 =	vimm.s32 $0x76543210;
	s3 =	rddreg [dreg:$0x3];
	v0 =	vunpack.c.l.s4.s8 v0  }
0x5: {  	s7 =	rddreg [dreg:$0x4];
	v2 =	vimm.s32 $0x32107654;
	v3 =	vimm.s32 $0xDCFE98BA;
	v1 =	vunpack.c.l.s4.s8 v1  }
0x6: {  	s8 =	rddreg [dreg:$0x5];
	s5 =	srdreg.scid;
	v4 =	vimm.s32 $0x54761032;
	v5 =	vimm.s32 $0xEFCDAB89;
	v0 =	vunpack.c.0.s8.s32 v0  }
0x7: {  	s4 =	simm.s32 $0x0;
	s9 =	stileid.u32;
	v6 =	vimm.s32 $0x67452301;
	s11 =	simm.s32 $0x400;
	v7 =	vlaneseq.u32;
	v1 =	vunpack.c.0.s8.s32 v1  }
0x8: {  	s12 =	simm.s32 $0x1;
	s13 =	simm.s32 $0x40;
	s15 =	simm.s32 $0x2A00;
	vm0 =	vmmov $0xff;
	vm1 =	vmmov $0x3;
	v0 =	vand.u32 $0xF, v0  }
0x9: {  	s16 =	simm.s32 $0x4A00;
	s17 =	simm.s32 $0x6A00;
	s18 =	simm.s32 $0x8A00;
	v2 =	vunpack.c.l.s4.s8 v2;
	v0 =	vcombine.low v0, v1;
	v1 =	vimm.s32 $0xBA98FEDC  }
0xa: {  	s19 =	simm.s32 $0xAA00;
	s20 =	simm.s32 $0x2;
	s21 =	simm.s32 $0x600;
	v3 =	vunpack.c.l.s4.s8 v3;
	v4 =	vunpack.c.l.s4.s8 v4;
	v1 =	vunpack.c.l.s4.s8 v1  }
0xb: {  	s22 =	simm.s32 $0x3;
	s23 =	simm.s32 $0x0;
	s5 =	sand.u32 $0x1, s5;
	v5 =	vunpack.c.l.s4.s8 v5;
	v6 =	vunpack.c.l.s4.s8 v6;
	v2 =	vunpack.c.0.s8.s32 v2  }
.Ltmp0:
0xc: {  	s9 =	sshll.u32 s9, $0x7;
	s6 =	ssub.s32 $0x2, s5;
	v3 =	vunpack.c.0.s8.s32 v3;
	v4 =	vunpack.c.0.s8.s32 v4;
	v1 =	vunpack.c.0.s8.s32 v1;
	(pc) =	sbr.rel .LBB2_1-.Ltmp0, $4  }
0xd: {  	vm2 =	vmmov $0xf;
	[smem:$0x7FF] =	sst s4;
	s5 =	sshll.u32 s5, $0x6;
	s10 =	sshrl.u32 s6, $0x1;
	v5 =	vunpack.c.0.s8.s32 v5;
	v6 =	vunpack.c.0.s8.s32 v6  }
0xe: {  	_ =	strace $0x80000047;
	s9 =	sor.u32 s5, s9;
	s10 =	ssub.s32 s6, s10;
	v1 =	vcombine.low v2, v1;
	v2 =	vcombine.low v4, v3;
	v4 =	vand.u32 $0x1, v7  }
0xf: {  	vm3 =	vmmov $0x3f;
	vm4 =	vmmov $0x3ff;
	s5 =	sadd.s32 s2, s9;
	s6 =	sadd.s32 s3, s9;
	s7 =	sadd.s32 s7, s9;
	v4 =	vmul.u32 $0x8, v4  }
0x10: {  	vm5 =	vmmov $0xfff;
	vm6 =	vmmov $0x3fff;
	s8 =	sadd.s32 s8, s9;
	s9 =	smax.u32 s10, $0x1;
	s10 =	simm.s32 $0x200;
	v3 =	vcombine.low v6, v5  }
.LBB2_19:
0x11: {  	s23 =	sadd.s32 $0x1, s23  }
0x12: {  	p0 =	sne.s32 s23, s9  }
.Ltmp1:
0x13: {  	_ = 	snop;
	(pc) =	sbr.rel @!p0 .LBB2_20-.Ltmp1, $4  }
0x14: {  	[hbm4b:s8+s4] =	stream.linear.scatter [tilespmem:s21], [sflag:$0x3], $0x200, $0x38;
	[tilespmem:$0xCA00] =	vst v63  }
0x15: {  	_ =	swait.ge [sflag:s22], $0x200  }
0x16: {  	[sflag:s22] =	ssyncset.done $0x0  }
0x17: {  	[sflag:s22] =	ssyncadd.s32 $0xFFFFFE00  }
.LBB2_1:
0x18: {  	[tilespmem:s4], [sflag:$0x1] =	stream.linear.gather [hbm4b:s5+s4], $0x200, $0x38;
	[tilespmem:$0xCA00] =	vst v63  }
0x19: {  	_ = 	snop  }
0x1a: {  	[tilespmem:s10], [sflag:$0x1] =	stream.linear.gather [hbm4b:s6+s4], $0x200, $0x38;
	[tilespmem:$0xCA00] =	vst v63  }
0x1b: {  	_ = 	snop  }
0x1c: {  	[tilespmem:s11], [sflag:$0x1] =	stream.linear.gather [hbm4b:s7+s4], $0x200, $0x38;
	[tilespmem:$0xCA00] =	vst v63  }
0x1d: {  	_ =	swait.ge [sflag:s12], $0x200  }
0x1e: {  	[sflag:s12] =	ssyncset.done $0x0  }
0x1f: {  	[sflag:s12] =	ssyncadd.s32 $0xFFFFFE00  }
0x20: {  	_ =	swait.ge [sflag:s12], $0x200  }
0x21: {  	[sflag:s12] =	ssyncset.done $0x0  }
0x22: {  	[sflag:s12] =	ssyncadd.s32 $0xFFFFFE00  }
0x23: {  	_ =	swait.ge [sflag:s12], $0x200  }
0x24: {  	[sflag:s12] =	ssyncset.done $0x0  }
0x25: {  	s2 =	simm.s32 $0xA00;
	[sflag:s12] =	ssyncadd.s32 $0xFFFFFE00  }
0x26: {  	[tilespmem:s2], [sflag:$0x1] =	stream.indirect.gather [hbm4b:s0+s13], $0x80, s4, s13, $0xb8;
	[tilespmem:$0xCA00] =	vst v63  }
0x27: {  	_ = 	snop  }
0x28: {  	[tilespmem:s15], [sflag:$0x1] =	stream.indirect.gather [hbm4b:s1+s13], $0x80, s10, s13, $0xb8;
	[tilespmem:$0xCA00] =	vst v63  }
0x29: {  	s24 =	simm.s32 $0x640;
	s25 =	simm.s32 $0x600;
	s26 =	simm.s32 $0x0  }
0x2a: {  	[tilespmem:s16], [sflag:$0x1] =	stream.indirect.gather [hbm4b:s0+s13], $0x80, s11, s13, $0xb8;
	[tilespmem:$0xCA00] =	vst v63  }
.LBB2_2:
0x2b: {  	s28 =	sshll.u32 s26, $0x7  }
0x2c: {  	s2 =	sor.u32 $0x40, s28  }
0x2d: {  	[tilespmem:s17], [sflag:$0x2] =	stream.indirect.gather [hbm4b:s0+s13], $0x80, s2, s13, $0xb8;
	[tilespmem:$0xCA00] =	vst v63  }
0x2e: {  	s3 =	sadd.s32 $0x240, s28  }
0x2f: {  	[tilespmem:s18], [sflag:$0x2] =	stream.indirect.gather [hbm4b:s1+s13], $0x80, s3, s13, $0xb8;
	[tilespmem:$0xCA00] =	vst v63  }
0x30: {  	s14 =	sadd.s32 $0x440, s28  }
0x31: {  	[tilespmem:s19], [sflag:$0x2] =	stream.indirect.gather [hbm4b:s0+s13], $0x80, s14, s13, $0xb8;
	[tilespmem:$0xCA00] =	vst v63  }
0x32: {  	_ =	swait.ge [sflag:s12], $0x2000  }
0x33: {  	[sflag:s12] =	ssyncset.done $0x0  }
0x34: {  	[sflag:s12] =	ssyncadd.s32 $0xFFFFE000  }
0x35: {  	_ =	swait.ge [sflag:s12], $0x2000  }
0x36: {  	[sflag:s12] =	ssyncset.done $0x0  }
0x37: {  	[sflag:s12] =	ssyncadd.s32 $0xFFFFE000  }
0x38: {  	_ =	swait.ge [sflag:s12], $0x2000  }
0x39: {  	[sflag:s12] =	ssyncset.done $0x0  }
0x3a: {  	s2 =	simm.s32 $0x4A80;
	[sflag:s12] =	ssyncadd.s32 $0xFFFFE000  }
0x3b: {  	v5 =	vld [tilespmem:s2+$0xFFFFFFF0]  }
0x3c: {  	s3 =	simm.s32 $0xA80;
	v6 =	vld [tilespmem:s2+$0xFFFFFFE0]  }
0x3d: {  	s14 =	simm.s32 $0x2A80;
	v7 =	vld [tilespmem:s3+$0xFFFFFFF0]  }
0x3e: {  	v8 =	vld [tilespmem:s14+$0xFFFFFFF0]  }
0x3f: {  	v9 =	vld [tilespmem:s3+$0x70]  }
0x40: {  	v10 =	vld [tilespmem:s14+$0x70]  }
0x41: {  	v11 =	vld [tilespmem:s2+$0xFFFFFFD0]  }
0x42: {  	v12 =	vld [tilespmem:s3+$0xFFFFFFE0]  }
0x43: {  	v13 =	vld [tilespmem:s14+$0xFFFFFFE0]  }
0x44: {  	v14 =	vld [tilespmem:s3+$0x60]  }
0x45: {  	v15 =	vld [tilespmem:s14+$0x60]  }
0x46: {  	v16 =	vld [tilespmem:s2+$0xFFFFFFC0]  }
0x47: {  	v17 =	vld [tilespmem:s3+$0xFFFFFFD0]  }
0x48: {  	v18 =	vld [tilespmem:s14+$0xFFFFFFD0]  }
0x49: {  	v19 =	vld [tilespmem:s3+$0x50]  }
0x4a: {  	v20 =	vld [tilespmem:s14+$0x50]  }
0x4b: {  	v21 =	vld [tilespmem:s2+$0xFFFFFFB0]  }
0x4c: {  	v22 =	vld [tilespmem:s3+$0xFFFFFFC0]  }
0x4d: {  	v23 =	vld [tilespmem:s14+$0xFFFFFFC0]  }
0x4e: {  	v24 =	vld [tilespmem:s3+$0x40]  }
0x4f: {  	v25 =	vld [tilespmem:s14+$0x40]  }
0x50: {  	v26 =	vld [tilespmem:s2+$0xFFFFFFA0]  }
0x51: {  	v27 =	vld [tilespmem:s3+$0xFFFFFFB0]  }
0x52: {  	v28 =	vld [tilespmem:s14+$0xFFFFFFB0]  }
0x53: {  	v29 =	vld [tilespmem:s3+$0x30]  }
0x54: {  	v30 =	vld [tilespmem:s14+$0x30]  }
0x55: {  	v31 =	vld [tilespmem:s3+$0xFFFFFFA0]  }
0x56: {  	v32 =	vld [tilespmem:s14+$0xFFFFFFA0]  }
0x57: {  	v33 =	vld [tilespmem:s3+$0x20]  }
0x58: {  	v34 =	vld [tilespmem:s14+$0x20]  }
0x59: {  	v35 =	vld [tilespmem:s3+$0xFFFFFF80]  }
0x5a: {  	v36 =	vld [tilespmem:s14+$0xFFFFFF80]  }
0x5b: {  	v37 =	vld [tilespmem:s3+$0xFFFFFF90]  }
0x5c: {  	v38 =	vld [tilespmem:s14+$0xFFFFFF90]  }
0x5d: {  	v39 =	vld [tilespmem:s3+$0x0]  }
0x5e: {  	v40 =	vld [tilespmem:s14+$0x0]  }
0x5f: {  	v41 =	vld [tilespmem:s3+$0x10]  }
0x60: {  	v42 =	vld [tilespmem:s14+$0x10]  }
0x61: {  	s30 =	simm.s32 $0xB80;
	v51 =	vld [tilespmem:s2+$0x30]  }
0x62: {  	s31 =	simm.s32 $0x2B80;
	v53 =	vld [tilespmem:s30+$0x30]  }
0x63: {  	v54 =	vld [tilespmem:s31+$0x30]  }
0x64: {  	v55 =	vld [tilespmem:s30+$0xFFFFFFA0]  }
0x65: {  	v56 =	vld [tilespmem:s31+$0xFFFFFFA0]  }
0x66: {  	v57 =	vld [tilespmem:s30+$0x20];
	v7 =	vadd.f32 v8, v7  }
0x67: {  	v58 =	vld [tilespmem:s31+$0x20];
	v12 =	vadd.f32 v13, v12;
	v10 =	vadd.f32 v10, v9  }
0x68: {  	v59 =	vld [tilespmem:s30+$0xFFFFFF80];
	v17 =	vadd.f32 v18, v17;
	v14 =	vadd.f32 v15, v14  }
0x69: {  	v60 =	vld [tilespmem:s31+$0xFFFFFF80];
	v18 =	vadd.f32 v23, v22;
	v19 =	vadd.f32 v20, v19  }
0x6a: {  	v8 =	vld [tilespmem:s2+$0xFFFFFF80];
	v22 =	vadd.f32 v28, v27;
	v23 =	vadd.f32 v25, v24  }
0x6b: {  	v13 =	vld [tilespmem:s2+$0xFFFFFF90];
	v25 =	vadd.f32 v32, v31;
	v27 =	vadd.f32 v30, v29  }
0x6c: {  	v15 =	vld [tilespmem:s2+$0x0];
	v28 =	vadd.f32 v36, v35;
	v29 =	vadd.f32 v34, v33  }
0x6d: {  	v20 =	vld [tilespmem:s2+$0x10];
	v31 =	vadd.f32 v38, v37;
	v50 =	vadd.f32 v40, v39  }
0x6e: {  	v24 =	vld [tilespmem:s2+$0x20];
	v52 =	vsub.f32 v7, v5;
	v7 =	vadd.f32 v42, v41  }
0x6f: {  	v61 =	vld [tilespmem:s30+$0xFFFFFF90];
	v11 =	vsub.f32 v17, v11;
	v12 =	vsub.f32 v12, v6  }
0x70: {  	v62 =	vld [tilespmem:s31+$0xFFFFFF90];
	v21 =	vsub.f32 v22, v21;
	v16 =	vsub.f32 v18, v16  }
0x71: {  	v44 =	vld [tilespmem:s30+$0x0];
	v6 =	vsub.f32 v28, v8;
	v8 =	vsub.f32 v31, v13  }
0x72: {  	v45 =	vld [tilespmem:s31+$0x0];
	v15 =	vsub.f32 v50, v15;
	v7 =	vsub.f32 v7, v20  }
0x73: {  	v17 =	vld [tilespmem:s2+$0x40];
	v22 =	vsub.f32 v25, v26;
	v24 =	vsub.f32 v29, v24;
	v6 =	vand.u32 $0x7FFFFFFF, v6  }
0x74: {  	v46 =	vld [tilespmem:s30+$0x10];
	v8 =	vand.u32 $0x7FFFFFFF, v8;
	v15 =	vand.u32 $0x7FFFFFFF, v15;
	v7 =	vand.u32 $0x7FFFFFFF, v7  }
0x75: {  	v13 =	vld [tilespmem:s2+$0x50];
	v8 =	vadd.f32 v8, v6;
	v7 =	vadd.f32 v7, v15  }
0x76: {  	v47 =	vld [tilespmem:s31+$0x10];
	v27 =	vsub.f32 v27, v51;
	v22 =	vand.u32 $0x7FFFFFFF, v22;
	v24 =	vand.u32 $0x7FFFFFFF, v24  }
0x77: {  	s29 =	simm.s32 $0x4B80;
	v25 =	vld [tilespmem:s2+$0x60];
	v8 =	vadd.f32 v22, v8;
	v7 =	vadd.f32 v24, v7  }
0x78: {  	v9 =	vld [tilespmem:s29+$0xFFFFFFF0];
	v21 =	vand.u32 $0x7FFFFFFF, v21;
	v17 =	vsub.f32 v23, v17;
	v24 =	vand.u32 $0x7FFFFFFF, v27  }
0x79: {  	v30 =	vld [tilespmem:s2+$0x70];
	v8 =	vadd.f32 v21, v8;
	v7 =	vadd.f32 v24, v7  }
0x7a: {  	v5 =	vld [tilespmem:s29+$0xFFFFFFE0];
	v16 =	vand.u32 $0x7FFFFFFF, v16;
	v17 =	vand.u32 $0x7FFFFFFF, v17;
	v13 =	vsub.f32 v19, v13  }
0x7b: {  	v18 =	vld [tilespmem:s30+$0xFFFFFFF0];
	v8 =	vadd.f32 v16, v8;
	v16 =	vadd.f32 v17, v7  }
0x7c: {  	v26 =	vld [tilespmem:s30+$0x70];
	v11 =	vand.u32 $0x7FFFFFFF, v11;
	v14 =	vsub.f32 v14, v25;
	v13 =	vand.u32 $0x7FFFFFFF, v13  }
0x7d: {  	v20 =	vld [tilespmem:s31+$0xFFFFFFF0];
	v8 =	vadd.f32 v11, v8;
	v11 =	vadd.f32 v13, v16  }
0x7e: {  	v12 =	vand.u32 $0x7FFFFFFF, v12;
	v10 =	vsub.f32 v10, v30;
	v28 =	vld [tilespmem:s30+$0x40];
	v14 =	vand.u32 $0x7FFFFFFF, v14  }
0x7f: {  	v29 =	vld [tilespmem:s31+$0x40];
	v8 =	vadd.f32 v12, v8;
	v12 =	vadd.f32 v14, v11  }
0x80: {  	v30 =	vld [tilespmem:s30+$0xFFFFFFB0];
	v10 =	vand.u32 $0x7FFFFFFF, v10;
	v17 =	vand.u32 $0x7FFFFFFF, v52  }
0x81: {  	v31 =	vld [tilespmem:s31+$0xFFFFFFB0];
	v8 =	vadd.f32 v17, v8;
	v10 =	vadd.f32 v10, v12  }
0x82: {  	v23 =	vld [tilespmem:s31+$0xFFFFFFE0]  }
0x83: {  	v25 =	vld [tilespmem:s30+$0xFFFFFFC0];
	v12 =	vperm.xlane v8, v0;
	v17 =	vperm.xlane v10, v0  }
0x84: {  	v15 =	vld [tilespmem:s31+$0x70]  }
0x85: {  	v6 =	vld [tilespmem:s29+$0xFFFFFFD0];
	v8 =	vadd.f32 v12, v8;
	v10 =	vadd.f32 v10, v17  }
0x86: {  	v22 =	vld [tilespmem:s30+$0xFFFFFFE0]  }
0x87: {  	v19 =	vld [tilespmem:s30+$0xFFFFFFD0];
	v8 =	vsel vm0, v8, v10  }
0x88: {  	v27 =	vld [tilespmem:s31+$0xFFFFFFC0];
	v10 =	vperm.xlane v8, v1  }
0x89: {  	v13 =	vld [tilespmem:s31+$0xFFFFFFD0]  }
0x8a: {  	v16 =	vld [tilespmem:s30+$0x50];
	v8 =	vadd.f32 v8, v10  }
0x8b: {  	v14 =	vld [tilespmem:s31+$0x50]  }
0x8c: {  	v43 =	vadd.f32 v20, v18;
	v21 =	vld [tilespmem:s30+$0x60];
	v10 =	vperm.xlane v8, v2  }
0x8d: {  	v18 =	vadd.f32 v56, v55;
	v24 =	vld [tilespmem:s31+$0x60];
	v20 =	vadd.f32 v27, v25  }
0x8e: {  	v7 =	vld [tilespmem:s29+$0xFFFFFFC0];
	v27 =	vadd.f32 v45, v44;
	v8 =	vadd.f32 v8, v10  }
0x8f: {  	v25 =	vld [tilespmem:s29+$0x0];
	v19 =	vadd.f32 v13, v19;
	v13 =	vsub.f32 v43, v9  }
0x90: {  	v11 =	vld [tilespmem:s29+$0xFFFFFFB0];
	v14 =	vadd.f32 v14, v16;
	v16 =	vadd.f32 v54, v53;
	v10 =	vperm.xlane v8, v3  }
0x91: {  	v12 =	vld [tilespmem:s29+$0xFFFFFFA0];
	v17 =	vadd.f32 v23, v22;
	v22 =	vadd.f32 v58, v57  }
0x92: {  	v23 =	vld [tilespmem:s29+$0xFFFFFF90];
	v63 =	vadd.f32 v8, v10;
	v8 =	vadd.f32 v15, v26  }
0x93: {  	v10 =	vadd.f32 v24, v21;
	v21 =	vld [tilespmem:s29+$0xFFFFFF80];
	v24 =	vadd.f32 v31, v30  }
0x94: {  	s2 =	simm.s32 $0x800;
	v15 =	vadd.f32 v29, v28;
	v26 =	vadd.f32 v60, v59;
	v28 =	vld [tilespmem:s29+$0x10]  }
0x95: {  	s3 =	simm.s32 $0x2;
	s14 =	simm.s32 $0x4C80;
	v30 =	vadd.f32 v62, v61;
	v31 =	vadd.f32 v47, v46;
	v29 =	vld [tilespmem:s29+$0x20];
	[tilespmem:s2+$0x0] =	vst v63  }
.LBB2_3:
0x96: {  	v9 =	vld [tilespmem:s14+$0xFFFFFFF0];
	v19 =	vsub.f32 v19, v6;
	v17 =	vsub.f32 v17, v5  }
0x97: {  	v6 =	vsub.f32 v24, v11;
	v7 =	vsub.f32 v20, v7;
	v11 =	vld [tilespmem:s29+$0x70]  }
0x98: {  	v20 =	vsub.f32 v26, v21;
	v21 =	vsub.f32 v30, v23;
	v23 =	vld [tilespmem:s29+$0x30]  }
0x99: {  	v24 =	vsub.f32 v27, v25;
	v5 =	vld [tilespmem:s14+$0xFFFFFFE0];
	v25 =	vsub.f32 v31, v28  }
0x9a: {  	v12 =	vsub.f32 v18, v12;
	s30 =	sadd.s32 $0x100, s30;
	v20 =	vand.u32 $0x7FFFFFFF, v20;
	v18 =	vsub.f32 v22, v29;
	v22 =	vld [tilespmem:s29+$0x40]  }
0x9b: {  	v21 =	vand.u32 $0x7FFFFFFF, v21;
	v24 =	vand.u32 $0x7FFFFFFF, v24;
	v26 =	vld [tilespmem:s30+$0xFFFFFFF0];
	v25 =	vand.u32 $0x7FFFFFFF, v25  }
0x9c: {  	s31 =	sadd.s32 $0x100, s31;
	v20 =	vadd.f32 v21, v20;
	v21 =	vadd.f32 v25, v24;
	v24 =	vld [tilespmem:s29+$0x50]  }
0x9d: {  	v12 =	vand.u32 $0x7FFFFFFF, v12;
	v18 =	vand.u32 $0x7FFFFFFF, v18;
	v25 =	vld [tilespmem:s31+$0xFFFFFFF0];
	v16 =	vsub.f32 v16, v23  }
0x9e: {  	v12 =	vadd.f32 v12, v20;
	v18 =	vadd.f32 v18, v21;
	v20 =	vld [tilespmem:s29+$0x60];
	s29 =	smov.u32 s14  }
0x9f: {  	v6 =	vand.u32 $0x7FFFFFFF, v6;
	v21 =	vld [tilespmem:s30+$0x70];
	v16 =	vand.u32 $0x7FFFFFFF, v16;
	v15 =	vsub.f32 v15, v22  }
0xa0: {  	v12 =	vadd.f32 v6, v12;
	v22 =	vld [tilespmem:s31+$0x70];
	v16 =	vadd.f32 v16, v18  }
0xa1: {  	v7 =	vand.u32 $0x7FFFFFFF, v7;
	v6 =	vld [tilespmem:s14+$0xFFFFFFD0];
	v15 =	vand.u32 $0x7FFFFFFF, v15;
	v14 =	vsub.f32 v14, v24  }
0xa2: {  	v7 =	vadd.f32 v7, v12;
	v18 =	vld [tilespmem:s30+$0xFFFFFFE0];
	v12 =	vadd.f32 v15, v16  }
0xa3: {  	v16 =	vand.u32 $0x7FFFFFFF, v19;
	v15 =	vld [tilespmem:s31+$0xFFFFFFE0];
	v14 =	vand.u32 $0x7FFFFFFF, v14;
	v10 =	vsub.f32 v10, v20  }
0xa4: {  	v16 =	vadd.f32 v16, v7;
	v20 =	vld [tilespmem:s30+$0x60];
	v12 =	vadd.f32 v14, v12  }
0xa5: {  	v17 =	vand.u32 $0x7FFFFFFF, v17;
	v8 =	vsub.f32 v8, v11;
	v14 =	vld [tilespmem:s31+$0x60];
	v10 =	vand.u32 $0x7FFFFFFF, v10  }
0xa6: {  	v11 =	vadd.f32 v17, v16;
	v7 =	vld [tilespmem:s14+$0xFFFFFFC0];
	v10 =	vadd.f32 v10, v12  }
0xa7: {  	v8 =	vand.u32 $0x7FFFFFFF, v8;
	v12 =	vand.u32 $0x7FFFFFFF, v13;
	v16 =	vld [tilespmem:s30+$0xFFFFFFD0]  }
0xa8: {  	v12 =	vadd.f32 v12, v11;
	v13 =	vld [tilespmem:s31+$0xFFFFFFD0];
	v8 =	vadd.f32 v8, v10  }
0xa9: {  	v23 =	vld [tilespmem:s30+$0x50]  }
0xaa: {  	v10 =	vperm.xlane v12, v0;
	v24 =	vld [tilespmem:s31+$0x50];
	v17 =	vperm.xlane v8, v0  }
0xab: {  	v11 =	vld [tilespmem:s14+$0xFFFFFFB0]  }
0xac: {  	v10 =	vadd.f32 v10, v12;
	v27 =	vld [tilespmem:s30+$0xFFFFFFC0];
	v8 =	vadd.f32 v8, v17  }
0xad: {  	v28 =	vld [tilespmem:s31+$0xFFFFFFC0]  }
0xae: {  	v29 =	vld [tilespmem:s30+$0x40];
	v8 =	vsel vm0, v10, v8  }
0xaf: {  	v30 =	vld [tilespmem:s31+$0x40];
	v10 =	vperm.xlane v8, v1  }
0xb0: {  	v12 =	vld [tilespmem:s14+$0xFFFFFFA0]  }
0xb1: {  	v31 =	vld [tilespmem:s30+$0xFFFFFFB0];
	v8 =	vadd.f32 v8, v10  }
0xb2: {  	v32 =	vld [tilespmem:s31+$0xFFFFFFB0]  }
0xb3: {  	v33 =	vld [tilespmem:s30+$0x30];
	v10 =	vperm.xlane v8, v2  }
0xb4: {  	v34 =	vld [tilespmem:s31+$0x30]  }
0xb5: {  	v35 =	vld [tilespmem:s30+$0xFFFFFFA0];
	v8 =	vadd.f32 v8, v10  }
0xb6: {  	v36 =	vld [tilespmem:s31+$0xFFFFFFA0]  }
0xb7: {  	v37 =	vld [tilespmem:s30+$0x20];
	v10 =	vperm.xlane v8, v3  }
0xb8: {  	v38 =	vld [tilespmem:s31+$0x20]  }
0xb9: {  	v39 =	vld [tilespmem:s30+$0xFFFFFF80];
	v8 =	vadd.f32 v8, v10  }
0xba: {  	s2 =	sadd.s32 $0x10, s2;
	v40 =	vld [tilespmem:s31+$0xFFFFFF80]  }
0xbb: {  	v41 =	vld [tilespmem:s30+$0xFFFFFF90];
	[tilespmem:s2+$0x0] =	vst v8  }
0xbc: {  	v42 =	vld [tilespmem:s31+$0xFFFFFF90]  }
0xbd: {  	v43 =	vadd.f32 v25, v26;
	v44 =	vld [tilespmem:s30+$0x0]  }
0xbe: {  	v17 =	vadd.f32 v15, v18;
	v8 =	vadd.f32 v22, v21;
	v45 =	vld [tilespmem:s31+$0x0]  }
0xbf: {  	s3 =	sadd.s32 $0x2, s3;
	v19 =	vadd.f32 v13, v16;
	v10 =	vadd.f32 v14, v20;
	v46 =	vld [tilespmem:s30+$0x10]  }
0xc0: {  	p0 =	slt.u32 s3, $0x3E;
	v20 =	vadd.f32 v28, v27;
	v14 =	vadd.f32 v24, v23;
	v47 =	vld [tilespmem:s31+$0x10]  }
.Ltmp2:
0xc1: {  	v15 =	vadd.f32 v30, v29;
	v24 =	vadd.f32 v32, v31;
	v21 =	vld [tilespmem:s14+$0xFFFFFF80];
	(pc) =	sbr.rel @p0 .LBB2_3-.Ltmp2, $4  }
0xc2: {  	v16 =	vadd.f32 v34, v33;
	v18 =	vadd.f32 v36, v35;
	v23 =	vld [tilespmem:s14+$0xFFFFFF90]  }
0xc3: {  	v22 =	vadd.f32 v38, v37;
	v26 =	vadd.f32 v40, v39;
	v25 =	vld [tilespmem:s14+$0x0]  }
0xc4: {  	v30 =	vadd.f32 v42, v41;
	v27 =	vadd.f32 v45, v44;
	v28 =	vld [tilespmem:s14+$0x10]  }
0xc5: {  	v13 =	vsub.f32 v43, v9;
	s14 =	sadd.s32 $0x100, s14;
	v31 =	vadd.f32 v47, v46;
	v29 =	vld [tilespmem:s29+$0x20]  }
0xc6: {  	v6 =	vsub.f32 v19, v6;
	v5 =	vsub.f32 v17, v5  }
0xc7: {  	v9 =	vsub.f32 v24, v11;
	v7 =	vsub.f32 v20, v7  }
0xc8: {  	v11 =	vsub.f32 v26, v21;
	v53 =	vld [tilespmem:s29+$0x30];
	v52 =	vsub.f32 v30, v23  }
0xc9: {  	v54 =	vsub.f32 v27, v25;
	v55 =	vsub.f32 v31, v28  }
0xca: {  	v12 =	vsub.f32 v18, v12;
	v57 =	vld [tilespmem:s29+$0x40];
	v11 =	vand.u32 $0x7FFFFFFF, v11;
	v17 =	vand.u32 $0x7FFFFFFF, v52  }
0xcb: {  	v56 =	vsub.f32 v22, v29;
	v20 =	vand.u32 $0x7FFFFFFF, v54;
	v21 =	vand.u32 $0x7FFFFFFF, v55  }
0xcc: {  	v59 =	vld [tilespmem:s29+$0x50];
	v11 =	vadd.f32 v17, v11;
	v58 =	vadd.f32 v21, v20  }
0xcd: {  	v12 =	vand.u32 $0x7FFFFFFF, v12;
	v16 =	vsub.f32 v16, v53;
	v18 =	vand.u32 $0x7FFFFFFF, v56  }
0xce: {  	v61 =	vld [tilespmem:s29+$0x60];
	v11 =	vadd.f32 v12, v11;
	v60 =	vadd.f32 v18, v58  }
0xcf: {  	v9 =	vand.u32 $0x7FFFFFFF, v9;
	v15 =	vsub.f32 v15, v57;
	v16 =	vand.u32 $0x7FFFFFFF, v16  }
0xd0: {  	v62 =	vld [tilespmem:s29+$0x70];
	v9 =	vadd.f32 v9, v11;
	v11 =	vadd.f32 v16, v60  }
0xd1: {  	v7 =	vand.u32 $0x7FFFFFFF, v7;
	v14 =	vsub.f32 v14, v59;
	v63 =	vand.u32 $0x7FFFFFFF, v15  }
0xd2: {  	v7 =	vadd.f32 v7, v9;
	v9 =	vadd.f32 v63, v11  }
0xd3: {  	v6 =	vand.u32 $0x7FFFFFFF, v6;
	v10 =	vsub.f32 v10, v61;
	v11 =	vand.u32 $0x7FFFFFFF, v14  }
0xd4: {  	v6 =	vadd.f32 v6, v7;
	v7 =	vadd.f32 v11, v9  }
0xd5: {  	v5 =	vand.u32 $0x7FFFFFFF, v5;
	v8 =	vsub.f32 v8, v62;
	v9 =	vand.u32 $0x7FFFFFFF, v10  }
0xd6: {  	v5 =	vadd.f32 v5, v6;
	v6 =	vadd.f32 v9, v7  }
0xd7: {  	v8 =	vand.u32 $0x7FFFFFFF, v8;
	v7 =	vand.u32 $0x7FFFFFFF, v13  }
0xd8: {  	v5 =	vadd.f32 v7, v5;
	v6 =	vadd.f32 v8, v6;
	_ =	sdelay $0x1  }
0xd9: {  	v7 =	vperm.xlane v5, v0;
	v8 =	vperm.xlane v6, v0;
	_ =	sdelay $0x1  }
0xda: {  	v5 =	vadd.f32 v7, v5;
	v6 =	vadd.f32 v6, v8;
	_ =	sdelay $0x1  }
0xdb: {  	v5 =	vsel vm0, v5, v6  }
0xdc: {  	v6 =	vperm.xlane v5, v1;
	_ =	sdelay $0x1  }
0xdd: {  	v5 =	vadd.f32 v5, v6;
	_ =	sdelay $0x1  }
0xde: {  	v6 =	vperm.xlane v5, v2;
	_ =	sdelay $0x1  }
0xdf: {  	v5 =	vadd.f32 v5, v6;
	_ =	sdelay $0x1  }
0xe0: {  	v6 =	vperm.xlane v5, v3  }
0xe1: {  	p1 =	por $0x1, $0x1  }
.Ltmp3:
0xe2: {  	v5 =	vadd.f32 v5, v6;
	(pc) =	sbr.rel @!p1 .LBB2_5-.Ltmp3, $4  }
0xe3: {  	s2 =	sadd.s32 $0x10, s2  }
0xe4: {  	s3 =	simm.s32 $0x840;
	[tilespmem:s2+$0x0] =	vst v5  }
0xe5: {  	v7 =	vld [tilespmem:s3+$0xFFFFFFC0]  }
0xe6: {  	s14 =	simm.s32 $0x40;
	p0 =	por $0x0, $0x0;
	s2 =	simm.s32 $0x0;
	v9 =	vld [tilespmem:s3+$0xFFFFFFD0]  }
0xe7: {  	v10 =	vld [tilespmem:s3+$0xFFFFFFE0]  }
0xe8: {  	v11 =	vld [tilespmem:s3+$0xFFFFFFF0]  }
0xe9: {  	v13 =	vld [tilespmem:s3+$0x0];
	p1 =	por $0x1, $0x1  }
.Ltmp4:
0xea: {  	v8 =	vld [tilespmem:s3+$0x10];
	(pc) =	sbr.rel @!p1 .LBB2_7-.Ltmp4, $4  }
0xeb: {  	v6 =	vld [tilespmem:s3+$0x20];
	v12 =	vperm.xlane v7, v4;
	v9 =	vperm.xlane v9, v4  }
0xec: {  	v5 =	vld [tilespmem:s3+$0x30];
	s3 =	simm.s32 $0x8C0;
	v14 =	vperm.xlane v10, v4  }
0xed: {  	v7 =	vld [tilespmem:s3+$0xFFFFFFC0];
	v10 =	vperm.xlane v11, v4;
	v12 =	vsel vm1, v12, v9  }
0xee: {  	s29 =	simm.s32 $0x80;
	p0 =	por $0x1, $0x1;
	v11 =	vperm.xlane v13, v4;
	v9 =	vld [tilespmem:s3+$0xFFFFFFD0];
	v12 =	vsel vm2, v12, v14  }
.LBB2_8:
0xef: {  	p1 =	sne.s32 s29, $0xC0;
	v13 =	vld [tilespmem:s3+$0xFFFFFFE0];
	v10 =	vsel vm3, v12, v10;
	v8 =	vperm.xlane v8, v4  }
0xf0: {  	v12 =	vld [tilespmem:s3+$0xFFFFFFF0];
	v10 =	vsel vm0, v10, v11;
	v6 =	vperm.xlane v6, v4  }
0xf1: {  	v11 =	vld [tilespmem:s3+$0x0];
	v10 =	vsel vm4, v10, v8;
	v5 =	vperm.xlane v5, v4  }
.Ltmp5:
0xf2: {  	v8 =	vld [tilespmem:s3+$0x10];
	v10 =	vsel vm5, v10, v6;
	(pc) =	sbr.rel @p1 .LBB2_8-.Ltmp5, $4  }
0xf3: {  	v14 =	vperm.xlane v7, v4;
	v9 =	vperm.xlane v9, v4;
	v6 =	vld [tilespmem:s3+$0x20];
	v7 =	vsel vm6, v10, v5  }
0xf4: {  	s30 =	sshra.s32 s2, $0x2;
	s2 =	smov.u32 s14;
	v13 =	vperm.xlane v13, v4;
	v5 =	vld [tilespmem:s3+$0x30];
	s3 =	sadd.s32 $0x80, s3;
	v15 =	vsub.f32 $1.200000000e+01, v7  }
0xf5: {  	s14 =	smov.u32 s29;
	s30 =	sadd.s32 s30, s25;
	v7 =	vld [tilespmem:s3+$0xFFFFFFC0];
	v14 =	vsel vm1, v14, v9;
	v10 =	vperm.xlane v12, v4  }
0xf6: {  	s29 =	sadd.s32 $0x40, s29;
	v9 =	vld [tilespmem:s3+$0xFFFFFFD0];
	v12 =	vsel vm2, v14, v13;
	v11 =	vperm.xlane v11, v4;
	[tilespmem:s30+$0x0] =	vst v15  }
0xf7: {  	s29 =	smov.u32 s2;
	s2 =	smov.u32 s14  }
.LBB2_10:
0xf8: {  	v13 =	vld [tilespmem:s3+$0xFFFFFFE0]  }
0xf9: {  	v14 =	vld [tilespmem:s3+$0xFFFFFFF0]  }
0xfa: {  	v15 =	vld [tilespmem:s3+$0x0]  }
0xfb: {  	v16 =	vld [tilespmem:s3+$0x10]  }
0xfc: {  	v17 =	vld [tilespmem:s3+$0x20];
	v7 =	vperm.xlane v7, v4;
	v9 =	vperm.xlane v9, v4  }
0xfd: {  	v10 =	vsel @p0 vm3, v12, v10;
	v8 =	vperm.xlane @p0 v8, v4;
	v12 =	vperm.xlane v13, v4;
	v13 =	vld [tilespmem:s3+$0x30]  }
0xfe: {  	v6 =	vperm.xlane @p0 v6, v4;
	v7 =	vsel vm1, v7, v9;
	v9 =	vperm.xlane v14, v4  }
0xff: {  	v10 =	vsel @p0 vm0, v10, v11;
	v11 =	vperm.xlane v15, v4;
	v7 =	vsel vm2, v7, v12  }
0x100: {  	v5 =	vperm.xlane @p0 v5, v4;
	v7 =	vsel vm3, v7, v9;
	v9 =	vperm.xlane v16, v4  }
0x101: {  	v8 =	vsel @p0 vm4, v10, v8;
	v10 =	vperm.xlane v17, v4;
	v7 =	vsel vm0, v7, v11  }
0x102: {  	v6 =	vsel @p0 vm5, v8, v6;
	v7 =	vsel vm4, v7, v9;
	v8 =	vperm.xlane v13, v4  }
0x103: {  	v5 =	vsel @p0 vm6, v6, v5;
	v6 =	vsel vm5, v7, v10  }
0x104: {  	v5 =	vsub.f32 @p0 $1.200000000e+01, v5;
	s3 =	sshra.s32 @p0 s29, $0x2;
	v6 =	vsel vm6, v6, v8  }
0x105: {  	s2 =	sshra.s32 s2, $0x2;
	s3 =	sadd.s32 @p0 s3, s25;
	v6 =	vsub.f32 $1.200000000e+01, v6  }
0x106: {  	s2 =	sadd.s32 s2, s25;
	[tilespmem:s3+$0x0] =	vst @p0 v5;
	p0 =	seq.s32 s26, $0x3  }
0x107: {  	s3 =	simm.s32 @!p0 $0x40;
	s14 =	simm.s32 @!p0 $0xA00;
	[tilespmem:s2+$0x0] =	vst v6;
	s2 =	sadd.s32 @!p0 $0x80, s28  }
0x108: {  	[tilespmem:s14], [sflag:$0x1] =	stream.indirect.gather @!p0 [hbm4b:s0+s3], $0x80, s2, s3, $0xb8;
	[tilespmem:$0xCA00] =	vst v63  }
0x109: {  	s2 =	sadd.s32 @!p0 $0x280, s28;
	s14 =	simm.s32 @!p0 $0x2A00  }
0x10a: {  	[tilespmem:s14], [sflag:$0x1] =	stream.indirect.gather @!p0 [hbm4b:s1+s3], $0x80, s2, s3, $0xb8;
	[tilespmem:$0xCA00] =	vst v63  }
0x10b: {  	s2 =	sadd.s32 @!p0 $0x480, s28;
	s14 =	simm.s32 @!p0 $0x4A00  }
0x10c: {  	[tilespmem:s14], [sflag:$0x1] =	stream.indirect.gather @!p0 [hbm4b:s0+s3], $0x80, s2, s3, $0xb8;
	[tilespmem:$0xCA00] =	vst v63  }
0x10d: {  	_ =	swait.ge [sflag:s20], $0x2000  }
0x10e: {  	[sflag:s20] =	ssyncset.done $0x0  }
0x10f: {  	[sflag:s20] =	ssyncadd.s32 $0xFFFFE000  }
0x110: {  	_ =	swait.ge [sflag:s20], $0x2000  }
0x111: {  	[sflag:s20] =	ssyncset.done $0x0  }
0x112: {  	[sflag:s20] =	ssyncadd.s32 $0xFFFFE000  }
0x113: {  	_ =	swait.ge [sflag:s20], $0x2000  }
0x114: {  	[sflag:s20] =	ssyncset.done $0x0  }
0x115: {  	s2 =	simm.s32 $0xAA80;
	[sflag:s20] =	ssyncadd.s32 $0xFFFFE000  }
0x116: {  	v5 =	vld [tilespmem:s2+$0xFFFFFFF0]  }
0x117: {  	s14 =	simm.s32 $0x6A80;
	v6 =	vld [tilespmem:s2+$0xFFFFFFE0]  }
0x118: {  	s31 =	simm.s32 $0x8A80;
	v7 =	vld [tilespmem:s14+$0xFFFFFFF0]  }
0x119: {  	v8 =	vld [tilespmem:s31+$0xFFFFFFF0]  }
0x11a: {  	v9 =	vld [tilespmem:s14+$0x70]  }
0x11b: {  	v10 =	vld [tilespmem:s31+$0x70]  }
0x11c: {  	v11 =	vld [tilespmem:s2+$0xFFFFFFD0]  }
0x11d: {  	v12 =	vld [tilespmem:s14+$0xFFFFFFE0]  }
0x11e: {  	v13 =	vld [tilespmem:s31+$0xFFFFFFE0]  }
0x11f: {  	v14 =	vld [tilespmem:s14+$0x60]  }
0x120: {  	v15 =	vld [tilespmem:s31+$0x60]  }
0x121: {  	v16 =	vld [tilespmem:s2+$0xFFFFFFC0]  }
0x122: {  	v17 =	vld [tilespmem:s14+$0xFFFFFFD0]  }
0x123: {  	v18 =	vld [tilespmem:s31+$0xFFFFFFD0]  }
0x124: {  	v19 =	vld [tilespmem:s14+$0x50]  }
0x125: {  	v20 =	vld [tilespmem:s31+$0x50]  }
0x126: {  	v21 =	vld [tilespmem:s2+$0xFFFFFFB0]  }
0x127: {  	v22 =	vld [tilespmem:s14+$0xFFFFFFC0]  }
0x128: {  	v23 =	vld [tilespmem:s31+$0xFFFFFFC0]  }
0x129: {  	v24 =	vld [tilespmem:s14+$0x40]  }
0x12a: {  	v25 =	vld [tilespmem:s31+$0x40]  }
0x12b: {  	v26 =	vld [tilespmem:s2+$0xFFFFFFA0]  }
0x12c: {  	v27 =	vld [tilespmem:s14+$0xFFFFFFB0]  }
0x12d: {  	v28 =	vld [tilespmem:s31+$0xFFFFFFB0]  }
0x12e: {  	v29 =	vld [tilespmem:s14+$0x30]  }
0x12f: {  	v30 =	vld [tilespmem:s31+$0x30]  }
0x130: {  	v31 =	vld [tilespmem:s14+$0xFFFFFFA0]  }
0x131: {  	v32 =	vld [tilespmem:s31+$0xFFFFFFA0]  }
0x132: {  	v33 =	vld [tilespmem:s14+$0x20]  }
0x133: {  	v34 =	vld [tilespmem:s31+$0x20]  }
0x134: {  	v35 =	vld [tilespmem:s14+$0xFFFFFF80]  }
0x135: {  	v36 =	vld [tilespmem:s31+$0xFFFFFF80]  }
0x136: {  	v37 =	vld [tilespmem:s14+$0xFFFFFF90]  }
0x137: {  	v38 =	vld [tilespmem:s31+$0xFFFFFF90]  }
0x138: {  	v39 =	vld [tilespmem:s14+$0x0]  }
0x139: {  	v40 =	vld [tilespmem:s31+$0x0]  }
0x13a: {  	v41 =	vld [tilespmem:s14+$0x10]  }
0x13b: {  	v42 =	vld [tilespmem:s31+$0x10]  }
0x13c: {  	s29 =	simm.s32 $0x6B80;
	v51 =	vld [tilespmem:s2+$0x30]  }
0x13d: {  	s30 =	simm.s32 $0x8B80;
	v53 =	vld [tilespmem:s29+$0x30]  }
0x13e: {  	v54 =	vld [tilespmem:s30+$0x30]  }
0x13f: {  	v55 =	vld [tilespmem:s29+$0xFFFFFFA0]  }
0x140: {  	v56 =	vld [tilespmem:s30+$0xFFFFFFA0]  }
0x141: {  	v57 =	vld [tilespmem:s29+$0x20];
	v7 =	vadd.f32 v8, v7  }
0x142: {  	v58 =	vld [tilespmem:s30+$0x20];
	v12 =	vadd.f32 v13, v12;
	v10 =	vadd.f32 v10, v9  }
0x143: {  	v59 =	vld [tilespmem:s29+$0xFFFFFF80];
	v17 =	vadd.f32 v18, v17;
	v14 =	vadd.f32 v15, v14  }
0x144: {  	v60 =	vld [tilespmem:s30+$0xFFFFFF80];
	v18 =	vadd.f32 v23, v22;
	v19 =	vadd.f32 v20, v19  }
0x145: {  	v8 =	vld [tilespmem:s2+$0xFFFFFF80];
	v22 =	vadd.f32 v28, v27;
	v23 =	vadd.f32 v25, v24  }
0x146: {  	v13 =	vld [tilespmem:s2+$0xFFFFFF90];
	v25 =	vadd.f32 v32, v31;
	v27 =	vadd.f32 v30, v29  }
0x147: {  	v15 =	vld [tilespmem:s2+$0x0];
	v28 =	vadd.f32 v36, v35;
	v29 =	vadd.f32 v34, v33  }
0x148: {  	v20 =	vld [tilespmem:s2+$0x10];
	v31 =	vadd.f32 v38, v37;
	v50 =	vadd.f32 v40, v39  }
0x149: {  	v24 =	vld [tilespmem:s2+$0x20];
	v52 =	vsub.f32 v7, v5;
	v7 =	vadd.f32 v42, v41  }
0x14a: {  	v61 =	vld [tilespmem:s29+$0xFFFFFF90];
	v11 =	vsub.f32 v17, v11;
	v12 =	vsub.f32 v12, v6  }
0x14b: {  	v62 =	vld [tilespmem:s30+$0xFFFFFF90];
	v21 =	vsub.f32 v22, v21;
	v16 =	vsub.f32 v18, v16  }
0x14c: {  	v44 =	vld [tilespmem:s29+$0x0];
	v6 =	vsub.f32 v28, v8;
	v8 =	vsub.f32 v31, v13  }
0x14d: {  	v45 =	vld [tilespmem:s30+$0x0];
	v15 =	vsub.f32 v50, v15;
	v7 =	vsub.f32 v7, v20  }
0x14e: {  	v17 =	vld [tilespmem:s2+$0x40];
	v22 =	vsub.f32 v25, v26;
	v24 =	vsub.f32 v29, v24;
	v6 =	vand.u32 $0x7FFFFFFF, v6  }
0x14f: {  	v46 =	vld [tilespmem:s29+$0x10];
	v8 =	vand.u32 $0x7FFFFFFF, v8;
	v15 =	vand.u32 $0x7FFFFFFF, v15;
	v7 =	vand.u32 $0x7FFFFFFF, v7  }
0x150: {  	v13 =	vld [tilespmem:s2+$0x50];
	v8 =	vadd.f32 v8, v6;
	v7 =	vadd.f32 v7, v15  }
0x151: {  	v47 =	vld [tilespmem:s30+$0x10];
	v27 =	vsub.f32 v27, v51;
	v22 =	vand.u32 $0x7FFFFFFF, v22;
	v24 =	vand.u32 $0x7FFFFFFF, v24  }
0x152: {  	s28 =	simm.s32 $0xAB80;
	v25 =	vld [tilespmem:s2+$0x60];
	v8 =	vadd.f32 v22, v8;
	v7 =	vadd.f32 v24, v7  }
0x153: {  	v9 =	vld [tilespmem:s28+$0xFFFFFFF0];
	v21 =	vand.u32 $0x7FFFFFFF, v21;
	v17 =	vsub.f32 v23, v17;
	v24 =	vand.u32 $0x7FFFFFFF, v27  }
0x154: {  	v30 =	vld [tilespmem:s2+$0x70];
	v8 =	vadd.f32 v21, v8;
	v7 =	vadd.f32 v24, v7  }
0x155: {  	v5 =	vld [tilespmem:s28+$0xFFFFFFE0];
	v16 =	vand.u32 $0x7FFFFFFF, v16;
	v17 =	vand.u32 $0x7FFFFFFF, v17;
	v13 =	vsub.f32 v19, v13  }
0x156: {  	v18 =	vld [tilespmem:s29+$0xFFFFFFF0];
	v8 =	vadd.f32 v16, v8;
	v16 =	vadd.f32 v17, v7  }
0x157: {  	v26 =	vld [tilespmem:s29+$0x70];
	v11 =	vand.u32 $0x7FFFFFFF, v11;
	v14 =	vsub.f32 v14, v25;
	v13 =	vand.u32 $0x7FFFFFFF, v13  }
0x158: {  	v20 =	vld [tilespmem:s30+$0xFFFFFFF0];
	v8 =	vadd.f32 v11, v8;
	v11 =	vadd.f32 v13, v16  }
0x159: {  	v12 =	vand.u32 $0x7FFFFFFF, v12;
	v10 =	vsub.f32 v10, v30;
	v28 =	vld [tilespmem:s29+$0x40];
	v14 =	vand.u32 $0x7FFFFFFF, v14  }
0x15a: {  	v29 =	vld [tilespmem:s30+$0x40];
	v8 =	vadd.f32 v12, v8;
	v12 =	vadd.f32 v14, v11  }
0x15b: {  	v30 =	vld [tilespmem:s29+$0xFFFFFFB0];
	v10 =	vand.u32 $0x7FFFFFFF, v10;
	v17 =	vand.u32 $0x7FFFFFFF, v52  }
0x15c: {  	v31 =	vld [tilespmem:s30+$0xFFFFFFB0];
	v8 =	vadd.f32 v17, v8;
	v10 =	vadd.f32 v10, v12  }
0x15d: {  	v23 =	vld [tilespmem:s30+$0xFFFFFFE0]  }
0x15e: {  	v25 =	vld [tilespmem:s29+$0xFFFFFFC0];
	v12 =	vperm.xlane v8, v0;
	v17 =	vperm.xlane v10, v0  }
0x15f: {  	v15 =	vld [tilespmem:s30+$0x70]  }
0x160: {  	v6 =	vld [tilespmem:s28+$0xFFFFFFD0];
	v8 =	vadd.f32 v12, v8;
	v10 =	vadd.f32 v10, v17  }
0x161: {  	v22 =	vld [tilespmem:s29+$0xFFFFFFE0]  }
0x162: {  	v19 =	vld [tilespmem:s29+$0xFFFFFFD0];
	v8 =	vsel vm0, v8, v10  }
0x163: {  	v27 =	vld [tilespmem:s30+$0xFFFFFFC0];
	v10 =	vperm.xlane v8, v1  }
0x164: {  	v13 =	vld [tilespmem:s30+$0xFFFFFFD0]  }
0x165: {  	v16 =	vld [tilespmem:s29+$0x50];
	v8 =	vadd.f32 v8, v10  }
0x166: {  	v14 =	vld [tilespmem:s30+$0x50]  }
0x167: {  	v43 =	vadd.f32 v20, v18;
	v21 =	vld [tilespmem:s29+$0x60];
	v10 =	vperm.xlane v8, v2  }
0x168: {  	v18 =	vadd.f32 v56, v55;
	v24 =	vld [tilespmem:s30+$0x60];
	v20 =	vadd.f32 v27, v25  }
0x169: {  	v7 =	vld [tilespmem:s28+$0xFFFFFFC0];
	v27 =	vadd.f32 v45, v44;
	v8 =	vadd.f32 v8, v10  }
0x16a: {  	v25 =	vld [tilespmem:s28+$0x0];
	v19 =	vadd.f32 v13, v19;
	v13 =	vsub.f32 v43, v9  }
0x16b: {  	v11 =	vld [tilespmem:s28+$0xFFFFFFB0];
	v14 =	vadd.f32 v14, v16;
	v16 =	vadd.f32 v54, v53;
	v10 =	vperm.xlane v8, v3  }
0x16c: {  	v12 =	vld [tilespmem:s28+$0xFFFFFFA0];
	v17 =	vadd.f32 v23, v22;
	v22 =	vadd.f32 v58, v57  }
0x16d: {  	v23 =	vld [tilespmem:s28+$0xFFFFFF90];
	v63 =	vadd.f32 v8, v10;
	v8 =	vadd.f32 v15, v26  }
0x16e: {  	v10 =	vadd.f32 v24, v21;
	v21 =	vld [tilespmem:s28+$0xFFFFFF80];
	v24 =	vadd.f32 v31, v30  }
0x16f: {  	s2 =	simm.s32 $0x800;
	v15 =	vadd.f32 v29, v28;
	v26 =	vadd.f32 v60, v59;
	v28 =	vld [tilespmem:s28+$0x10]  }
0x170: {  	s3 =	simm.s32 $0x2;
	s14 =	simm.s32 $0xAC80;
	v30 =	vadd.f32 v62, v61;
	v31 =	vadd.f32 v47, v46;
	v29 =	vld [tilespmem:s28+$0x20];
	[tilespmem:s2+$0x0] =	vst v63  }
.LBB2_11:
0x171: {  	v9 =	vld [tilespmem:s14+$0xFFFFFFF0];
	v19 =	vsub.f32 v19, v6;
	v17 =	vsub.f32 v17, v5  }
0x172: {  	v6 =	vsub.f32 v24, v11;
	v7 =	vsub.f32 v20, v7;
	v11 =	vld [tilespmem:s28+$0x70]  }
0x173: {  	v20 =	vsub.f32 v26, v21;
	v21 =	vsub.f32 v30, v23;
	v23 =	vld [tilespmem:s28+$0x30]  }
0x174: {  	v24 =	vsub.f32 v27, v25;
	v5 =	vld [tilespmem:s14+$0xFFFFFFE0];
	v25 =	vsub.f32 v31, v28  }
0x175: {  	v12 =	vsub.f32 v18, v12;
	s29 =	sadd.s32 $0x100, s29;
	v20 =	vand.u32 $0x7FFFFFFF, v20;
	v18 =	vsub.f32 v22, v29;
	v22 =	vld [tilespmem:s28+$0x40]  }
0x176: {  	v21 =	vand.u32 $0x7FFFFFFF, v21;
	v24 =	vand.u32 $0x7FFFFFFF, v24;
	v26 =	vld [tilespmem:s29+$0xFFFFFFF0];
	v25 =	vand.u32 $0x7FFFFFFF, v25  }
0x177: {  	s30 =	sadd.s32 $0x100, s30;
	v20 =	vadd.f32 v21, v20;
	v21 =	vadd.f32 v25, v24;
	v24 =	vld [tilespmem:s28+$0x50]  }
0x178: {  	v12 =	vand.u32 $0x7FFFFFFF, v12;
	v18 =	vand.u32 $0x7FFFFFFF, v18;
	v25 =	vld [tilespmem:s30+$0xFFFFFFF0];
	v16 =	vsub.f32 v16, v23  }
0x179: {  	v12 =	vadd.f32 v12, v20;
	v18 =	vadd.f32 v18, v21;
	v20 =	vld [tilespmem:s28+$0x60];
	s28 =	smov.u32 s14  }
0x17a: {  	v6 =	vand.u32 $0x7FFFFFFF, v6;
	v21 =	vld [tilespmem:s29+$0x70];
	v16 =	vand.u32 $0x7FFFFFFF, v16;
	v15 =	vsub.f32 v15, v22  }
0x17b: {  	v12 =	vadd.f32 v6, v12;
	v22 =	vld [tilespmem:s30+$0x70];
	v16 =	vadd.f32 v16, v18  }
0x17c: {  	v7 =	vand.u32 $0x7FFFFFFF, v7;
	v6 =	vld [tilespmem:s14+$0xFFFFFFD0];
	v15 =	vand.u32 $0x7FFFFFFF, v15;
	v14 =	vsub.f32 v14, v24  }
0x17d: {  	v7 =	vadd.f32 v7, v12;
	v18 =	vld [tilespmem:s29+$0xFFFFFFE0];
	v12 =	vadd.f32 v15, v16  }
0x17e: {  	v16 =	vand.u32 $0x7FFFFFFF, v19;
	v15 =	vld [tilespmem:s30+$0xFFFFFFE0];
	v14 =	vand.u32 $0x7FFFFFFF, v14;
	v10 =	vsub.f32 v10, v20  }
0x17f: {  	v16 =	vadd.f32 v16, v7;
	v20 =	vld [tilespmem:s29+$0x60];
	v12 =	vadd.f32 v14, v12  }
0x180: {  	v17 =	vand.u32 $0x7FFFFFFF, v17;
	v8 =	vsub.f32 v8, v11;
	v14 =	vld [tilespmem:s30+$0x60];
	v10 =	vand.u32 $0x7FFFFFFF, v10  }
0x181: {  	v11 =	vadd.f32 v17, v16;
	v7 =	vld [tilespmem:s14+$0xFFFFFFC0];
	v10 =	vadd.f32 v10, v12  }
0x182: {  	v8 =	vand.u32 $0x7FFFFFFF, v8;
	v12 =	vand.u32 $0x7FFFFFFF, v13;
	v16 =	vld [tilespmem:s29+$0xFFFFFFD0]  }
0x183: {  	v12 =	vadd.f32 v12, v11;
	v13 =	vld [tilespmem:s30+$0xFFFFFFD0];
	v8 =	vadd.f32 v8, v10  }
0x184: {  	v23 =	vld [tilespmem:s29+$0x50]  }
0x185: {  	v10 =	vperm.xlane v12, v0;
	v24 =	vld [tilespmem:s30+$0x50];
	v17 =	vperm.xlane v8, v0  }
0x186: {  	v11 =	vld [tilespmem:s14+$0xFFFFFFB0]  }
0x187: {  	v10 =	vadd.f32 v10, v12;
	v27 =	vld [tilespmem:s29+$0xFFFFFFC0];
	v8 =	vadd.f32 v8, v17  }
0x188: {  	v28 =	vld [tilespmem:s30+$0xFFFFFFC0]  }
0x189: {  	v29 =	vld [tilespmem:s29+$0x40];
	v8 =	vsel vm0, v10, v8  }
0x18a: {  	v30 =	vld [tilespmem:s30+$0x40];
	v10 =	vperm.xlane v8, v1  }
0x18b: {  	v12 =	vld [tilespmem:s14+$0xFFFFFFA0]  }
0x18c: {  	v31 =	vld [tilespmem:s29+$0xFFFFFFB0];
	v8 =	vadd.f32 v8, v10  }
0x18d: {  	v32 =	vld [tilespmem:s30+$0xFFFFFFB0]  }
0x18e: {  	v33 =	vld [tilespmem:s29+$0x30];
	v10 =	vperm.xlane v8, v2  }
0x18f: {  	v34 =	vld [tilespmem:s30+$0x30]  }
0x190: {  	v35 =	vld [tilespmem:s29+$0xFFFFFFA0];
	v8 =	vadd.f32 v8, v10  }
0x191: {  	v36 =	vld [tilespmem:s30+$0xFFFFFFA0]  }
0x192: {  	v37 =	vld [tilespmem:s29+$0x20];
	v10 =	vperm.xlane v8, v3  }
0x193: {  	v38 =	vld [tilespmem:s30+$0x20]  }
0x194: {  	v39 =	vld [tilespmem:s29+$0xFFFFFF80];
	v8 =	vadd.f32 v8, v10  }
0x195: {  	s2 =	sadd.s32 $0x10, s2;
	v40 =	vld [tilespmem:s30+$0xFFFFFF80]  }
0x196: {  	v41 =	vld [tilespmem:s29+$0xFFFFFF90];
	[tilespmem:s2+$0x0] =	vst v8  }
0x197: {  	v42 =	vld [tilespmem:s30+$0xFFFFFF90]  }
0x198: {  	v43 =	vadd.f32 v25, v26;
	v44 =	vld [tilespmem:s29+$0x0]  }
0x199: {  	v17 =	vadd.f32 v15, v18;
	v8 =	vadd.f32 v22, v21;
	v45 =	vld [tilespmem:s30+$0x0]  }
0x19a: {  	s3 =	sadd.s32 $0x2, s3;
	v19 =	vadd.f32 v13, v16;
	v10 =	vadd.f32 v14, v20;
	v46 =	vld [tilespmem:s29+$0x10]  }
0x19b: {  	p0 =	slt.u32 s3, $0x3E;
	v20 =	vadd.f32 v28, v27;
	v14 =	vadd.f32 v24, v23;
	v47 =	vld [tilespmem:s30+$0x10]  }
.Ltmp6:
0x19c: {  	v15 =	vadd.f32 v30, v29;
	v24 =	vadd.f32 v32, v31;
	v21 =	vld [tilespmem:s14+$0xFFFFFF80];
	(pc) =	sbr.rel @p0 .LBB2_11-.Ltmp6, $4  }
0x19d: {  	v16 =	vadd.f32 v34, v33;
	v18 =	vadd.f32 v36, v35;
	v23 =	vld [tilespmem:s14+$0xFFFFFF90]  }
0x19e: {  	v22 =	vadd.f32 v38, v37;
	v26 =	vadd.f32 v40, v39;
	v25 =	vld [tilespmem:s14+$0x0]  }
0x19f: {  	v30 =	vadd.f32 v42, v41;
	v27 =	vadd.f32 v45, v44;
	v28 =	vld [tilespmem:s14+$0x10]  }
0x1a0: {  	v13 =	vsub.f32 v43, v9;
	s14 =	sadd.s32 $0x100, s14;
	v31 =	vadd.f32 v47, v46;
	v29 =	vld [tilespmem:s28+$0x20]  }
0x1a1: {  	v6 =	vsub.f32 v19, v6;
	v5 =	vsub.f32 v17, v5  }
0x1a2: {  	v9 =	vsub.f32 v24, v11;
	v7 =	vsub.f32 v20, v7  }
0x1a3: {  	v11 =	vsub.f32 v26, v21;
	v53 =	vld [tilespmem:s28+$0x30];
	v52 =	vsub.f32 v30, v23  }
0x1a4: {  	v54 =	vsub.f32 v27, v25;
	v55 =	vsub.f32 v31, v28  }
0x1a5: {  	v12 =	vsub.f32 v18, v12;
	v57 =	vld [tilespmem:s28+$0x40];
	v11 =	vand.u32 $0x7FFFFFFF, v11;
	v17 =	vand.u32 $0x7FFFFFFF, v52  }
0x1a6: {  	v56 =	vsub.f32 v22, v29;
	v20 =	vand.u32 $0x7FFFFFFF, v54;
	v21 =	vand.u32 $0x7FFFFFFF, v55  }
0x1a7: {  	v59 =	vld [tilespmem:s28+$0x50];
	v11 =	vadd.f32 v17, v11;
	v58 =	vadd.f32 v21, v20  }
0x1a8: {  	v12 =	vand.u32 $0x7FFFFFFF, v12;
	v16 =	vsub.f32 v16, v53;
	v18 =	vand.u32 $0x7FFFFFFF, v56  }
0x1a9: {  	v61 =	vld [tilespmem:s28+$0x60];
	v11 =	vadd.f32 v12, v11;
	v60 =	vadd.f32 v18, v58  }
0x1aa: {  	v9 =	vand.u32 $0x7FFFFFFF, v9;
	v15 =	vsub.f32 v15, v57;
	v16 =	vand.u32 $0x7FFFFFFF, v16  }
0x1ab: {  	v62 =	vld [tilespmem:s28+$0x70];
	v9 =	vadd.f32 v9, v11;
	v11 =	vadd.f32 v16, v60  }
0x1ac: {  	v7 =	vand.u32 $0x7FFFFFFF, v7;
	v14 =	vsub.f32 v14, v59;
	v63 =	vand.u32 $0x7FFFFFFF, v15  }
0x1ad: {  	v7 =	vadd.f32 v7, v9;
	v9 =	vadd.f32 v63, v11  }
0x1ae: {  	v6 =	vand.u32 $0x7FFFFFFF, v6;
	v10 =	vsub.f32 v10, v61;
	v11 =	vand.u32 $0x7FFFFFFF, v14  }
0x1af: {  	v6 =	vadd.f32 v6, v7;
	v7 =	vadd.f32 v11, v9  }
0x1b0: {  	v5 =	vand.u32 $0x7FFFFFFF, v5;
	v8 =	vsub.f32 v8, v62;
	v9 =	vand.u32 $0x7FFFFFFF, v10  }
0x1b1: {  	v5 =	vadd.f32 v5, v6;
	v6 =	vadd.f32 v9, v7  }
0x1b2: {  	v8 =	vand.u32 $0x7FFFFFFF, v8;
	v7 =	vand.u32 $0x7FFFFFFF, v13  }
0x1b3: {  	v5 =	vadd.f32 v7, v5;
	v6 =	vadd.f32 v8, v6;
	_ =	sdelay $0x1  }
0x1b4: {  	v7 =	vperm.xlane v5, v0;
	v8 =	vperm.xlane v6, v0;
	_ =	sdelay $0x1  }
0x1b5: {  	v5 =	vadd.f32 v7, v5;
	v6 =	vadd.f32 v6, v8;
	_ =	sdelay $0x1  }
0x1b6: {  	v5 =	vsel vm0, v5, v6  }
0x1b7: {  	v6 =	vperm.xlane v5, v1;
	_ =	sdelay $0x1  }
0x1b8: {  	v5 =	vadd.f32 v5, v6;
	_ =	sdelay $0x1  }
0x1b9: {  	v6 =	vperm.xlane v5, v2;
	_ =	sdelay $0x1  }
0x1ba: {  	v5 =	vadd.f32 v5, v6;
	_ =	sdelay $0x1  }
0x1bb: {  	v6 =	vperm.xlane v5, v3  }
0x1bc: {  	p1 =	por $0x1, $0x1  }
.Ltmp7:
0x1bd: {  	v5 =	vadd.f32 v5, v6;
	(pc) =	sbr.rel @!p1 .LBB2_13-.Ltmp7, $4  }
0x1be: {  	s2 =	sadd.s32 $0x10, s2  }
0x1bf: {  	s3 =	simm.s32 $0x840;
	[tilespmem:s2+$0x0] =	vst v5  }
0x1c0: {  	v7 =	vld [tilespmem:s3+$0xFFFFFFC0]  }
0x1c1: {  	s14 =	simm.s32 $0x40;
	p0 =	por $0x0, $0x0;
	s2 =	simm.s32 $0x0;
	v9 =	vld [tilespmem:s3+$0xFFFFFFD0]  }
0x1c2: {  	v10 =	vld [tilespmem:s3+$0xFFFFFFE0]  }
0x1c3: {  	v11 =	vld [tilespmem:s3+$0xFFFFFFF0]  }
0x1c4: {  	v13 =	vld [tilespmem:s3+$0x0];
	p1 =	por $0x1, $0x1  }
.Ltmp8:
0x1c5: {  	v8 =	vld [tilespmem:s3+$0x10];
	(pc) =	sbr.rel @!p1 .LBB2_15-.Ltmp8, $4  }
0x1c6: {  	v5 =	vld [tilespmem:s3+$0x20];
	v12 =	vperm.xlane v7, v4;
	v9 =	vperm.xlane v9, v4  }
0x1c7: {  	v6 =	vld [tilespmem:s3+$0x30];
	s3 =	simm.s32 $0x8C0;
	v14 =	vperm.xlane v10, v4  }
0x1c8: {  	v7 =	vld [tilespmem:s3+$0xFFFFFFC0];
	v10 =	vperm.xlane v11, v4;
	v12 =	vsel vm1, v12, v9  }
0x1c9: {  	s28 =	simm.s32 $0x80;
	p0 =	por $0x1, $0x1;
	v11 =	vperm.xlane v13, v4;
	v9 =	vld [tilespmem:s3+$0xFFFFFFD0];
	v12 =	vsel vm2, v12, v14  }
.LBB2_16:
0x1ca: {  	p1 =	sne.s32 s28, $0xC0;
	v13 =	vld [tilespmem:s3+$0xFFFFFFE0];
	v10 =	vsel vm3, v12, v10;
	v8 =	vperm.xlane v8, v4  }
0x1cb: {  	v12 =	vld [tilespmem:s3+$0xFFFFFFF0];
	v10 =	vsel vm0, v10, v11;
	v5 =	vperm.xlane v5, v4  }
0x1cc: {  	v11 =	vld [tilespmem:s3+$0x0];
	v10 =	vsel vm4, v10, v8;
	v6 =	vperm.xlane v6, v4  }
.Ltmp9:
0x1cd: {  	v8 =	vld [tilespmem:s3+$0x10];
	v10 =	vsel vm5, v10, v5;
	(pc) =	sbr.rel @p1 .LBB2_16-.Ltmp9, $4  }
0x1ce: {  	v14 =	vperm.xlane v7, v4;
	v9 =	vperm.xlane v9, v4;
	v5 =	vld [tilespmem:s3+$0x20];
	v7 =	vsel vm6, v10, v6  }
0x1cf: {  	s29 =	sshra.s32 s2, $0x2;
	s2 =	smov.u32 s14;
	v13 =	vperm.xlane v13, v4;
	v6 =	vld [tilespmem:s3+$0x30];
	s3 =	sadd.s32 $0x80, s3;
	v15 =	vsub.f32 $1.200000000e+01, v7  }
0x1d0: {  	s14 =	smov.u32 s28;
	s29 =	sadd.s32 s29, s24;
	v7 =	vld [tilespmem:s3+$0xFFFFFFC0];
	v14 =	vsel vm1, v14, v9;
	v10 =	vperm.xlane v12, v4  }
0x1d1: {  	s28 =	sadd.s32 $0x40, s28;
	v9 =	vld [tilespmem:s3+$0xFFFFFFD0];
	v12 =	vsel vm2, v14, v13;
	v11 =	vperm.xlane v11, v4;
	[tilespmem:s29+$0x0] =	vst v15  }
0x1d2: {  	s28 =	smov.u32 s2;
	s2 =	smov.u32 s14  }
.LBB2_18:
0x1d3: {  	v13 =	vld [tilespmem:s3+$0xFFFFFFE0]  }
0x1d4: {  	v14 =	vld [tilespmem:s3+$0xFFFFFFF0]  }
0x1d5: {  	v15 =	vld [tilespmem:s3+$0x0]  }
0x1d6: {  	v16 =	vld [tilespmem:s3+$0x10];
	v10 =	vsel @p0 vm3, v12, v10;
	v8 =	vperm.xlane @p0 v8, v4;
	v5 =	vperm.xlane @p0 v5, v4  }
0x1d7: {  	v17 =	vld [tilespmem:s3+$0x20];
	v10 =	vsel @p0 vm0, v10, v11;
	v7 =	vperm.xlane v7, v4;
	v9 =	vperm.xlane v9, v4  }
0x1d8: {  	v58 =	vld [tilespmem:s3+$0x30];
	v6 =	vperm.xlane @p0 v6, v4;
	v8 =	vsel @p0 vm4, v10, v8;
	v57 =	vperm.xlane v13, v4  }
0x1d9: {  	v5 =	vsel @p0 vm5, v8, v5;
	v7 =	vsel vm1, v7, v9;
	v59 =	vperm.xlane v14, v4  }
0x1da: {  	v5 =	vsel @p0 vm6, v5, v6;
	v60 =	vperm.xlane v15, v4;
	v7 =	vsel vm2, v7, v57  }
0x1db: {  	s3 =	sshra.s32 @p0 s28, $0x2;
	v61 =	vperm.xlane v16, v4;
	v5 =	vsub.f32 @p0 $1.200000000e+01, v5;
	v7 =	vsel vm3, v7, v59  }
0x1dc: {  	s26 =	sadd.s32 $0x1, s26;
	s3 =	sadd.s32 @p0 s3, s24;
	v62 =	vperm.xlane v17, v4;
	v7 =	vsel vm0, v7, v60  }
0x1dd: {  	v63 =	vperm.xlane v58, v4;
	[tilespmem:s3+$0x0] =	vst @p0 v5;
	p0 =	sne.s32 s26, $0x4;
	v7 =	vsel vm4, v7, v61  }
.Ltmp10:
0x1de: {  	v6 =	vsel vm5, v7, v62;
	(pc) =	sbr.rel @p0 .LBB2_2-.Ltmp10, $4  }
.Ltmp11:
0x1df: {  	v6 =	vsel vm6, v6, v63;
	(pc) =	sbr.rel @!p0 .LBB2_19-.Ltmp11, $4  }
0x1e0: {  	s2 =	sshra.s32 s2, $0x2;
	v6 =	vsub.f32 $1.200000000e+01, v6  }
0x1e1: {  	s2 =	sadd.s32 s2, s24  }
0x1e2: {  	s25 =	sadd.s32 $0x80, s25;
	s24 =	sadd.s32 $0x80, s24;
	[tilespmem:s2+$0x0] =	vst v6  }
0x1e3: {  	_ = 	snop  }
.LBB2_5:
.Ltmp12:
0x1e4: {  	(pc) =	sbr.rel .LBB2_10-.Ltmp12, $2  }
0x1e5: {  	_ =	sdelay $0x2  }
0x1e6: {  	_ = 	snop  }
.LBB2_13:
.Ltmp13:
0x1e7: {  	(pc) =	sbr.rel .LBB2_18-.Ltmp13, $2  }
0x1e8: {  	_ =	sdelay $0x2  }
0x1e9: {  	_ = 	snop  }
.LBB2_7:
.Ltmp14:
0x1ea: {  	(pc) =	sbr.rel .LBB2_10-.Ltmp14, $2  }
0x1eb: {  	_ =	sdelay $0x2  }
0x1ec: {  	s29 =	simm.s32 $0x0;
	s2 =	simm.s32 $0x40  }
.LBB2_15:
.Ltmp15:
0x1ed: {  	(pc) =	sbr.rel .LBB2_18-.Ltmp15, $2  }
0x1ee: {  	_ =	sdelay $0x2  }
0x1ef: {  	s28 =	simm.s32 $0x0;
	s2 =	simm.s32 $0x40  }
.LBB2_20:
0x1f0: {  	_ =	sfence.sel $0x180000  }
0x1f1: {  	[bflag:$0x0] =	sbarrier.arrive $0xFFFF  }
0x1f2: {  	_ =	strace $0x90000047  }
0x1f3: {  	s0 =	stileid.u32;
	[bflag:$0x2] =	sbarrier.arrive $0xFFFF  }
0x1f4: {  	p0 =	sne.s32 s0, $0x0;
	s0 =	rddreg [dreg:$0x6]  }
0x1f5: {  	s0 =	sadd.s32 @!p0 $0x100000, s0  }
0x1f6: {  	[sflag:s0] =	ssyncadd.tile.s32 @!p0 $0x1;
	_ =	shalt  }
.Lfunc_end2:
_tile_overlayer_lowered:
.L_overlay_start_2:
0x1f7: {  	(tag) =	ssettag $0x2  }
0x1f8: {  	s0 =	rddreg [dreg:$0x0];
	s2 =	stileid.u32  }
0x1f9: {  	s1 =	rddreg [dreg:$0x1];
	p0 =	sne.s32 s2, $0x0  }
0x1fa: {  	s3 =	rddreg [dreg:$0x2];
	[bflag:$0x3] =	sbarrier.arrive $0xFFFF;
	s2 =	simm.s32 @!p0 $0x1C03  }
0x1fb: {  	[timem:s3], [sflag:s2] =	dma.local @!p0 [hbm:s0], s1  }
0x1fc: {  	s0 =	simm.s32 @!p0 $0x3  }
0x1fd: {  	_ =	swait.ge @!p0 [sflag:s0], s1  }
0x1fe: {  	s1 =	ssub.s32 @!p0 $0x0, s1;
	[sflag:s0] =	ssyncset.done @!p0 $0x0  }
0x1ff: {  	[sflag:s0] =	ssyncadd.s32 @!p0 s1  }
0x200: {  	[bflag:$0x3] =	sbarrier.arrive $0xFFFF  }
0x201: {  	_ =	shalt  }

</sc_bundles>
